<compile_context>
chip_gen: v7x
topology: tpu7x:2x2x1
jax: 0.10.2.dev20260603
libtpu: 0.0.44.dev20260713+nightly
codegen_flags: <defaults>
</compile_context>

<pallas_src>
import functools

import jax
import jax.numpy as jnp
from jax import lax
from jax.experimental import pallas as pl
from jax.experimental.pallas import tpu as pltpu
from jax.experimental.pallas import tpu_sc as plsc

B, R, G, C = 4, 5000, 50, 81
RP = 5120
NW = 32
WPB = NW // B
CH = RP // WPB
NV = CH // 16
GP = 64
POS_THRESH = 0.5
LN2 = 0.6931471805599453
BIG_I = 1 << 30
RB = 4000

_mesh = plsc.VectorSubcoreMesh(
    core_axis_name="c", subcore_axis_name="s", num_cores=2, num_subcores=16)
_sc_params = pltpu.CompilerParams(needs_layout_passes=False)


def _lane():
    return lax.broadcasted_iota(jnp.int32, (16,), 0)


def _splat_f(x):
    return jnp.full((16,), x, jnp.float32)


def _splat_i(x):
    return jnp.full((16,), x, jnp.int32)


def _ln(x):
    bits = plsc.bitcast(x, jnp.int32)
    e = ((bits >> 23) & 0xFF) - 127
    m = plsc.bitcast((bits & 0x7FFFFF) | 0x3F800000, jnp.float32)
    big = m > 1.4142135623730951
    m = jnp.where(big, m * 0.5, m)
    e = e + jnp.where(big, 1, 0)
    z = (m - 1.0) / (m + 1.0)
    z2 = z * z
    p = 2.0 * z * (1.0 + z2 * (1.0 / 3.0 + z2 * (0.2 + z2 * (1.0 / 7.0 + z2 * (1.0 / 9.0)))))
    return e.astype(jnp.float32) * LN2 + p


def _sc1_body(rl_h, rt_h, rr_h, rb_h, gt_h,
              piou_h, pidx_h, lastg_h,
              rl_v, rt_v, rr_v, rb_v, gt_v, area_v, lastg_v, piou_v, pidx_v):
    wid = lax.axis_index("s") * 2 + lax.axis_index("c")
    b = wid // WPB
    lbase = (wid % WPB) * CH
    pltpu.sync_copy(rl_h.at[b, pl.ds(lbase, CH)], rl_v)
    pltpu.sync_copy(rt_h.at[b, pl.ds(lbase, CH)], rt_v)
    pltpu.sync_copy(rr_h.at[b, pl.ds(lbase, CH)], rr_v)
    pltpu.sync_copy(rb_h.at[b, pl.ds(lbase, CH)], rb_v)
    pltpu.sync_copy(gt_h.at[b], gt_v)
    lane = _lane()

    def init_j(j, unused):
        s = pl.ds(j * 16, 16)
        area_v[s] = (rr_v[s] - rl_v[s]) * (rb_v[s] - rt_v[s])
        lastg_v[s] = _splat_i(-1)
        return 0

    lax.fori_loop(0, NV, init_j, 0)

    def g_loop(g, unused):
        gsp0 = _splat_i(g)
        gl = plsc.load_gather(gt_v, [gsp0])
        gt0 = plsc.load_gather(gt_v, [gsp0 + GP])
        gw = plsc.load_gather(gt_v, [gsp0 + 2 * GP])
        gh = plsc.load_gather(gt_v, [gsp0 + 3 * GP])
        gr = gl + gw
        gb = gt0 + gh
        ga = gw * gh

        def j_loop(j, carry):
            bint, bun, bidx = carry
            s = pl.ds(j * 16, 16)
            iw = jnp.maximum(jnp.minimum(rr_v[s], gr) - jnp.maximum(rl_v[s], gl), 0.0)
            ih = jnp.maximum(jnp.minimum(rb_v[s], gb) - jnp.maximum(rt_v[s], gt0), 0.0)
            inter = iw * ih
            union = ga + area_v[s] - inter
            lastg_v[s] = jnp.where(inter + inter > union, g, lastg_v[s])
            ridx = lbase + j * 16 + lane
            upd = inter * bun > bint * union
            return (jnp.where(upd, inter, bint), jnp.where(upd, union, bun),
                    jnp.where(upd, ridx, bidx))

        bint, bun, bidx = lax.fori_loop(
            0, NV, j_loop, (_splat_f(-1.0), _splat_f(1.0), _splat_i(0)))
        biou = bint / bun
        m = jnp.max(biou)
        mi = jnp.min(jnp.where(biou == m, bidx, BIG_I))
        gsp = _splat_i(g)
        plsc.store_scatter(piou_v, [gsp], _splat_f(m), mask=lane == 0)
        plsc.store_scatter(pidx_v, [gsp], _splat_i(mi), mask=lane == 0)
        return 0

    lax.fori_loop(0, G, g_loop, 0)

    pltpu.sync_copy(piou_v, piou_h.at[pl.ds(wid * GP, GP)])
    pltpu.sync_copy(pidx_v, pidx_h.at[pl.ds(wid * GP, GP)])
    pltpu.sync_copy(lastg_v, lastg_h.at[pl.ds(wid * CH, CH)])


_sc1 = functools.partial(
    pl.kernel,
    out_type=[
        jax.ShapeDtypeStruct((NW * GP,), jnp.float32),
        jax.ShapeDtypeStruct((NW * GP,), jnp.int32),
        jax.ShapeDtypeStruct((NW * CH,), jnp.int32),
    ],
    mesh=_mesh,
    compiler_params=_sc_params,
    scratch_types=[
        pltpu.VMEM((CH,), jnp.float32),
        pltpu.VMEM((CH,), jnp.float32),
        pltpu.VMEM((CH,), jnp.float32),
        pltpu.VMEM((CH,), jnp.float32),
        pltpu.VMEM((4 * GP,), jnp.float32),
        pltpu.VMEM((CH,), jnp.float32),
        pltpu.VMEM((CH,), jnp.int32),
        pltpu.VMEM((GP,), jnp.float32),
        pltpu.VMEM((GP,), jnp.int32),
    ],
)(_sc1_body)


def _sc2_body(rl_h, rt_h, rr_h, rb_h, l0_h, l1_h, l2_h, l3_h, gt_h, gtl_h,
              cls_h, piou_h, pidx_h, lastg_h,
              locs_h,
              rl_v, rt_v, rr_v, rb_v, l0_v, l1_v, l2_v, l3_v, gt_v, gtl_v,
              piou_v, pidx_v, lastg_v, bestroi_v, assign_v, idx_v, pick_v,
              part_v, sem):
    wid = lax.axis_index("s") * 2 + lax.axis_index("c")
    b = wid // WPB
    lbase = (wid % WPB) * CH
    pltpu.sync_copy(rl_h.at[b, pl.ds(lbase, CH)], rl_v)
    pltpu.sync_copy(rt_h.at[b, pl.ds(lbase, CH)], rt_v)
    pltpu.sync_copy(rr_h.at[b, pl.ds(lbase, CH)], rr_v)
    pltpu.sync_copy(rb_h.at[b, pl.ds(lbase, CH)], rb_v)
    pltpu.sync_copy(l0_h.at[b, pl.ds(lbase, CH)], l0_v)
    pltpu.sync_copy(l1_h.at[b, pl.ds(lbase, CH)], l1_v)
    pltpu.sync_copy(l2_h.at[b, pl.ds(lbase, CH)], l2_v)
    pltpu.sync_copy(l3_h.at[b, pl.ds(lbase, CH)], l3_v)
    pltpu.sync_copy(gt_h.at[b], gt_v)
    pltpu.sync_copy(gtl_h.at[b], gtl_v)
    pltpu.sync_copy(piou_h, piou_v)
    pltpu.sync_copy(pidx_h, pidx_v)
    pltpu.sync_copy(lastg_h.at[pl.ds(wid * CH, CH)], lastg_v)
    lane = _lane()

    wlane = b * WPB + jnp.minimum(lane, WPB - 1)

    def bg_loop(g, unused):
        gsp = _splat_i(g)
        flat = wlane * GP + gsp
        vi = plsc.load_gather(piou_v, [flat])
        xi = plsc.load_gather(pidx_v, [flat])
        vi = jnp.where(lane < WPB, vi, -2.0)
        m = jnp.max(vi)
        mi = jnp.min(jnp.where(vi == m, xi, BIG_I))
        plsc.store_scatter(bestroi_v, [gsp], _splat_i(mi), mask=lane == 0)
        return 0

    lax.fori_loop(0, G, bg_loop, 0)

    def ainit(j, unused):
        assign_v[pl.ds(j * 16, 16)] = _splat_i(-1)
        return 0

    lax.fori_loop(0, NV, ainit, 0)

    def ag_loop(g, unused):
        rv = plsc.load_gather(bestroi_v, [_splat_i(g)])
        loc = rv - lbase
        inr = (loc >= 0) & (loc < CH)
        locc = jnp.clip(loc, 0, CH - 1)
        plsc.store_scatter(assign_v, [locc], _splat_i(g),
                           mask=(lane == 0) & inr)
        return 0

    lax.fori_loop(0, G, ag_loop, 0)

    def j_loop2(j, carry):
        locacc, npacc = carry
        s = pl.ds(j * 16, 16)
        a = jnp.where(lastg_v[s] >= 0, lastg_v[s], assign_v[s])
        valid = a >= 0
        gr_idx = lbase + j * 16 + lane
        realm = gr_idx < R
        ac = jnp.clip(a, 0, G - 1)
        lab = plsc.load_gather(gtl_v, [ac])
        clst = jnp.where(valid & realm, lab, 0)
        pidx_flat = (b * R + gr_idx) * C + clst
        idx_v[s] = jnp.where(realm, pidx_flat, 0)
        gl = plsc.load_gather(gt_v, [ac])
        gt0 = plsc.load_gather(gt_v, [ac + GP])
        gw = plsc.load_gather(gt_v, [ac + 2 * GP])
        gh = plsc.load_gather(gt_v, [ac + 3 * GP])
        gcx = gl + gw * 0.5
        gcy = gt0 + gh * 0.5
        rl = rl_v[s]
        rt = rt_v[s]
        rr = rr_v[s]
        rb = rb_v[s]
        rw = rr - rl
        rh = rb - rt
        tx = (gcx - (rl + rr) * 0.5) / rw
        ty = (gcy - (rt + rb) * 0.5) / rh
        tw = _ln(gw / rw)
        th = _ln(gh / rh)
        pos = clst != 0
        acc = locacc
        for lp, t in ((l0_v[s], tx), (l1_v[s], ty), (l2_v[s], tw), (l3_v[s], th)):
            d = lp - t
            ad = jnp.abs(d)
            sl = jnp.where(ad < 1.0, 0.5 * d * d, ad - 0.5)
            acc = acc + jnp.where(pos, sl, 0.0)
        return acc, npacc + jnp.where(pos, 1.0, 0.0)

    locacc, npacc = lax.fori_loop(0, NV, j_loop2, (_splat_f(0.0), _splat_f(0.0)))

    descs = [
        pltpu.async_copy(cls_h.at[idx_v.at[pl.ds(k * 128, 128)]],
                         pick_v.at[pl.ds(k * 128, 128)], sem)
        for k in range(CH // 128)
    ]
    for d in descs:
        d.wait()

    def p_loop(j, pkacc):
        s = pl.ds(j * 16, 16)
        realm = (lbase + j * 16 + lane) < R
        return pkacc + jnp.where(realm, pick_v[s], 0.0)

    pkacc = lax.fori_loop(0, NV, p_loop, _splat_f(0.0))
    part_v[pl.ds(0, 16)] = locacc
    part_v[pl.ds(16, 16)] = pkacc
    part_v[pl.ds(32, 16)] = npacc
    pltpu.sync_copy(part_v, locs_h.at[wid])


_sc2 = functools.partial(
    pl.kernel,
    out_type=[
        jax.ShapeDtypeStruct((NW, 48), jnp.float32),
    ],
    mesh=_mesh,
    compiler_params=_sc_params,
    scratch_types=[
        pltpu.VMEM((CH,), jnp.float32),
        pltpu.VMEM((CH,), jnp.float32),
        pltpu.VMEM((CH,), jnp.float32),
        pltpu.VMEM((CH,), jnp.float32),
        pltpu.VMEM((CH,), jnp.float32),
        pltpu.VMEM((CH,), jnp.float32),
        pltpu.VMEM((CH,), jnp.float32),
        pltpu.VMEM((CH,), jnp.float32),
        pltpu.VMEM((4 * GP,), jnp.float32),
        pltpu.VMEM((GP,), jnp.int32),
        pltpu.VMEM((NW * GP,), jnp.float32),
        pltpu.VMEM((NW * GP,), jnp.int32),
        pltpu.VMEM((CH,), jnp.int32),
        pltpu.VMEM((GP,), jnp.int32),
        pltpu.VMEM((CH,), jnp.int32),
        pltpu.VMEM((CH,), jnp.int32),
        pltpu.VMEM((CH,), jnp.float32),
        pltpu.VMEM((48,), jnp.float32),
        pltpu.SemaphoreType.DMA,
    ],
)(_sc2_body)


def _tc_body(cls_ref, out_ref, acc_ref):
    i = pl.program_id(0)

    @pl.when(i == 0)
    def _():
        acc_ref[0] = 0.0

    cp = cls_ref[...]
    m = jnp.max(cp, axis=1, keepdims=True)
    s = jnp.sum(jnp.exp(cp - m), axis=1, keepdims=True)
    lse = m + jnp.log(s)
    acc_ref[0] = acc_ref[0] + jnp.sum(lse)

    @pl.when(i == pl.num_programs(0) - 1)
    def _():
        out_ref[0, 0] = acc_ref[0]


_tc = pl.pallas_call(
    _tc_body,
    grid=(B * R // RB,),
    in_specs=[
        pl.BlockSpec((RB, C), lambda i: (i, 0)),
    ],
    out_specs=pl.BlockSpec((1, 1), lambda i: (0, 0), memory_space=pltpu.SMEM),
    out_shape=jax.ShapeDtypeStruct((1, 1), jnp.float32),
    scratch_shapes=[pltpu.SMEM((1,), jnp.float32)],
)


def kernel(loc_p, cls_p, rois, gt_bboxes, gt_labels):
    padr = ((0, 0), (0, RP - R))
    rl_a = jnp.pad(rois[:, :, 0], padr)
    rt_a = jnp.pad(rois[:, :, 1], padr)
    rr_a = jnp.pad(rois[:, :, 2], padr)
    rb_a = jnp.pad(rois[:, :, 3], padr)
    lp = loc_p.reshape(B, R, 4)
    l0_a = jnp.pad(lp[:, :, 0], padr)
    l1_a = jnp.pad(lp[:, :, 1], padr)
    l2_a = jnp.pad(lp[:, :, 2], padr)
    l3_a = jnp.pad(lp[:, :, 3], padr)
    gt_a = jnp.pad(jnp.moveaxis(gt_bboxes, 1, 2),
                   ((0, 0), (0, 0), (0, GP - G))).reshape(B, 4 * GP)
    gtl_a = jnp.pad(gt_labels.astype(jnp.int32), ((0, 0), (0, GP - G)))

    piou, pidx, lastg = _sc1(rl_a, rt_a, rr_a, rb_a, gt_a)
    (parts,) = _sc2(rl_a, rt_a, rr_a, rb_a, l0_a, l1_a, l2_a, l3_a,
                    gt_a, gtl_a, cls_p.reshape(-1), piou, pidx, lastg)
    lse_sum = _tc(cls_p).reshape(())
    p3 = parts.reshape(NW, 3, 16).sum(axis=(0, 2))
    return (p3[0] + lse_sum - p3[1]) / jnp.maximum(p3[2], 1.0)

# --- scband reference (transcript-rebuilt; emitter-appended) ---
"""Pipeline reference for scband-rcnnloss-32933809226343 (READ-ONLY COPY).

The authoritative reference and input builder live on the scoring server;
editing this copy changes nothing except your own understanding.
"""

import jax, jax.numpy as jnp
import numpy as np

POS_THRESH = 0.5


def _ltrb_to_xywh(b):
    xy = (b[..., :2] + b[..., 2:]) * 0.5
    wh = b[..., 2:] - b[..., :2]
    return jnp.concatenate([xy, wh], axis=-1)


def _ltwh_to_xywh(b):
    xy = b[..., :2] + b[..., 2:] * 0.5
    wh = b[..., 2:]
    return jnp.concatenate([xy, wh], axis=-1)


def _xywh_to_ltrb(b):
    lt = b[..., :2] - b[..., 2:] * 0.5
    rb = b[..., :2] + b[..., 2:] * 0.5
    return jnp.concatenate([lt, rb], axis=-1)


def _iou_mn(a, b):
    # a: [G,4] ltrb, b: [R,4] ltrb -> [G,R]
    lt = jnp.maximum(a[:, None, :2], b[None, :, :2])
    rb = jnp.minimum(a[:, None, 2:], b[None, :, 2:])
    wh = jnp.clip(rb - lt, 0.0)
    inter = wh[..., 0] * wh[..., 1]
    area_a = (a[:, 2] - a[:, 0]) * (a[:, 3] - a[:, 1])
    area_b = (b[:, 2] - b[:, 0]) * (b[:, 3] - b[:, 1])
    union = area_a[:, None] + area_b[None, :] - inter
    return inter / union


def _coords_to_target(b_xywh, r_xywh):
    txy = (b_xywh[..., :2] - r_xywh[..., :2]) / r_xywh[..., 2:]
    twh = jnp.log(b_xywh[..., 2:] / r_xywh[..., 2:])
    return jnp.concatenate([txy, twh], axis=-1)


def _match_rois(gtb_ltwh, gtl, rois_i, rois_xywh_i):
    G = gtb_ltwh.shape[0]
    R = rois_i.shape[0]
    gtb_xywh = _ltwh_to_xywh(gtb_ltwh)
    gtb_ltrb = _xywh_to_ltrb(gtb_xywh)
    ious = _iou_mn(gtb_ltrb, rois_i)  # [G,R]
    # step 1: each gt claims its best roi (later gts win ties -> scatter-max on gt index)
    best_roi = jnp.argmax(ious, axis=1)  # [G]
    assign = jnp.full((R,), -1, dtype=jnp.int32)
    assign = assign.at[best_roi].max(jnp.arange(G, dtype=jnp.int32))
    # step 2: positives above threshold; sequential loop means last gt wins
    mask = ious > POS_THRESH
    has_pos = jnp.any(mask, axis=0)
    gidx = jnp.arange(G, dtype=jnp.int32)[:, None]
    last_g = jnp.max(jnp.where(mask, gidx, -1), axis=0)
    assign = jnp.where(has_pos, last_g, assign)
    valid = assign >= 0
    a = jnp.clip(assign, 0, G - 1)
    chosen_b = gtb_xywh[a]  # [R,4]
    loc_t = _coords_to_target(chosen_b, rois_xywh_i)
    loc_t = jnp.where(valid[:, None], loc_t, 0.0)
    cls_t = jnp.where(valid, gtl[a], 0)
    return loc_t, cls_t


def _multibox_loss(loc_p, cls_p, loc_t, cls_t):
    pos = (cls_t != 0)
    num_pos = jnp.maximum(jnp.sum(pos).astype(jnp.float32), 1.0)
    d = loc_p - loc_t
    ad = jnp.abs(d)
    sl1 = jnp.where(ad < 1.0, 0.5 * d * d, ad - 0.5)
    loc_loss = jnp.sum(sl1 * pos[:, None].astype(loc_p.dtype)) / num_pos
    lse = jax.nn.logsumexp(cls_p, axis=1)
    picked = jnp.take_along_axis(cls_p, cls_t[:, None], axis=1)[:, 0]
    cls_loss = jnp.sum(lse - picked) / num_pos
    return loc_loss + cls_loss


def setup_inputs(seed: int = 0) -> dict:
    key = jax.random.key(seed)
    ks = jax.random.split(key, 8)
    B, R, G, C = 4, 5000, 50, 81
    cxy = jax.random.uniform(ks[0], (B, R, 2)) * 512.0
    rwh = jax.random.uniform(ks[1], (B, R, 2)) * 112.0 + 16.0
    rois = jnp.concatenate([cxy - rwh / 2, cxy + rwh / 2], axis=-1)
    lt = jax.random.uniform(ks[2], (B, G, 2)) * 400.0
    gwh = jax.random.uniform(ks[3], (B, G, 2)) * 100.0 + 10.0
    gt_bboxes = jnp.concatenate([lt, gwh], axis=-1)  # LTWH
    gt_labels = jax.random.randint(ks[4], (B, G), 1, C)
    loc_p = jax.random.normal(ks[5], (B * R, 4), dtype=jnp.float32)
    cls_p = jax.random.normal(ks[6], (B * R, C), dtype=jnp.float32)
    return {"loc_p": loc_p, "cls_p": cls_p, "rois": rois, "gt_bboxes": gt_bboxes, "gt_labels": gt_labels}


def reference(loc_p, cls_p, rois, gt_bboxes, gt_labels):
    rois_xywh = _ltrb_to_xywh(rois)
    loc_t, cls_t = jax.vmap(_match_rois)(gt_bboxes, gt_labels, rois, rois_xywh)
    loc_t = loc_t.reshape(-1, 4)
    cls_t = cls_t.reshape(-1)
    return _multibox_loss(loc_p, cls_p, loc_t, cls_t)

if __name__ == "__main__":
    import jax
    _d = setup_inputs()
    print(jax.jit(kernel)(*tuple(_d.values())))

</pallas_src>

<mosaic_0001>
#map = affine_map<(d0, d1) -> (0, 0)>
#map1 = affine_map<(d0, d1) -> (0)>
module attributes {stable_mosaic.version = 14 : i64} {
  func.func @_sc2_body(%arg0: i32, %arg1: i32, %arg2: memref<4x5120xf32, #tpu.memory_space<hbm>>, %arg3: memref<4x5120xf32, #tpu.memory_space<hbm>>, %arg4: memref<4x5120xf32, #tpu.memory_space<hbm>>, %arg5: memref<4x5120xf32, #tpu.memory_space<hbm>>, %arg6: memref<4x5120xf32, #tpu.memory_space<hbm>>, %arg7: memref<4x5120xf32, #tpu.memory_space<hbm>>, %arg8: memref<4x5120xf32, #tpu.memory_space<hbm>>, %arg9: memref<4x5120xf32, #tpu.memory_space<hbm>>, %arg10: memref<4x256xf32, #tpu.memory_space<hbm>>, %arg11: memref<4x64xi32, #tpu.memory_space<hbm>>, %arg12: memref<1620000xf32, #tpu.memory_space<hbm>>, %arg13: memref<2048xf32, #tpu.memory_space<hbm>>, %arg14: memref<2048xi32, #tpu.memory_space<hbm>>, %arg15: memref<20480xi32, #tpu.memory_space<hbm>>, %arg16: memref<32x48xf32, #tpu.memory_space<hbm>>, %arg17: memref<640xf32, #tpu.memory_space<vmem>>, %arg18: memref<640xf32, #tpu.memory_space<vmem>>, %arg19: memref<640xf32, #tpu.memory_space<vmem>>, %arg20: memref<640xf32, #tpu.memory_space<vmem>>, %arg21: memref<640xf32, #tpu.memory_space<vmem>>, %arg22: memref<640xf32, #tpu.memory_space<vmem>>, %arg23: memref<640xf32, #tpu.memory_space<vmem>>, %arg24: memref<640xf32, #tpu.memory_space<vmem>>, %arg25: memref<256xf32, #tpu.memory_space<vmem>>, %arg26: memref<64xi32, #tpu.memory_space<vmem>>, %arg27: memref<2048xf32, #tpu.memory_space<vmem>>, %arg28: memref<2048xi32, #tpu.memory_space<vmem>>, %arg29: memref<640xi32, #tpu.memory_space<vmem>>, %arg30: memref<64xi32, #tpu.memory_space<vmem>>, %arg31: memref<640xi32, #tpu.memory_space<vmem>>, %arg32: memref<640xi32, #tpu.memory_space<vmem>>, %arg33: memref<640xf32, #tpu.memory_space<vmem>>, %arg34: memref<48xf32, #tpu.memory_space<vmem>>, %arg35: memref<!tpu.dma_semaphore, #tpu.memory_space<semaphore_mem>>) attributes {dimension_semantics = [#tpu.dimension_semantics<core_parallel>, #tpu.dimension_semantics<subcore_parallel>], iteration_bounds = array<i64: 2, 16>, scalar_prefetch = 0 : i64, scratch_operands = 19 : i64, tpu.core_type = #tpu.core_type<sc_vector_subcore>, window_params = [{transform_indices = #map}, {transform_indices = #map}, {transform_indices = #map}, {transform_indices = #map}, {transform_indices = #map}, {transform_indices = #map}, {transform_indices = #map}, {transform_indices = #map}, {transform_indices = #map}, {transform_indices = #map}, {transform_indices = #map1}, {transform_indices = #map1}, {transform_indices = #map1}, {transform_indices = #map1}, {transform_indices = #map}]} {
    %mul3A = arith.constant 2 : i32
    %mul3A_0 = arith.muli %arg1, %mul3A : i32
    %add3A = arith.addi %mul3A_0, %arg0 : i32
    %jit3A = arith.constant 8 : i32
    %div3A = arith.divsi %add3A, %jit3A : i32
    %sign3A = arith.constant 0 : i32
    %sign3A_1 = arith.cmpi sgt, %add3A, %sign3A : i32
    %sign3A_2 = arith.extui %sign3A_1 : i1 to i32
    %sign3A_3 = arith.constant 0 : i32
    %sign3A_4 = arith.cmpi slt, %add3A, %sign3A_3 : i32
    %sign3A_5 = arith.extui %sign3A_4 : i1 to i32
    %sign3A_6 = arith.subi %sign3A_2, %sign3A_5 : i32
    %sign3A_7 = arith.constant 0 : i32
    %sign3A_8 = arith.cmpi sgt, %jit3A, %sign3A_7 : i32
    %sign3A_9 = arith.extui %sign3A_8 : i1 to i32
    %sign3A_10 = arith.constant 0 : i32
    %sign3A_11 = arith.cmpi slt, %jit3A, %sign3A_10 : i32
    %sign3A_12 = arith.extui %sign3A_11 : i1 to i32
    %sign3A_13 = arith.subi %sign3A_9, %sign3A_12 : i32
    %ne3A = arith.cmpi ne, %sign3A_6, %sign3A_13 : i32
    %rem3A = arith.remsi %add3A, %jit3A : i32
    %ne3A_14 = arith.constant 0 : i32
    %ne3A_15 = arith.cmpi ne, %rem3A, %ne3A_14 : i32
    %and3A = arith.andi %ne3A, %ne3A_15 : i1
    %sub3A = arith.constant 1 : i32
    %sub3A_16 = arith.subi %div3A, %sub3A : i32
    %select_n3A = arith.select %and3A, %sub3A_16, %div3A : i32
    %jit3A_17 = arith.constant 8 : i32
    %eq3A = arith.constant 0 : i32
    %eq3A_18 = arith.cmpi eq, %jit3A_17, %eq3A : i32
    %jit3A_19 = arith.constant 1 : i32
    %select_n3A_20 = arith.select %eq3A_18, %jit3A_19, %jit3A_17 : i32
    %rem3A_21 = arith.remsi %add3A, %select_n3A_20 : i32
    %ne3A_22 = arith.constant 0 : i32
    %ne3A_23 = arith.cmpi ne, %rem3A_21, %ne3A_22 : i32
    %lt3A = arith.constant 0 : i32
    %lt3A_24 = arith.cmpi slt, %rem3A_21, %lt3A : i32
    %lt3A_25 = arith.constant 0 : i32
    %lt3A_26 = arith.cmpi slt, %select_n3A_20, %lt3A_25 : i32
    %ne3A_27 = arith.xori %lt3A_24, %lt3A_26 : i1
    %and3A_28 = arith.andi %ne3A_27, %ne3A_23 : i1
    %add3A_29 = arith.addi %rem3A_21, %select_n3A_20 : i32
    %select_n3A_30 = arith.select %and3A_28, %add3A_29, %rem3A_21 : i32
    %mul3A_31 = arith.constant 640 : i32
    %mul3A_32 = arith.muli %select_n3A_30, %mul3A_31 : i32
    "tpu.region"() ({
      %run_scoped3A = tpu.sem_alloc : memref<!tpu.dma_semaphore, #tpu.memory_space<semaphore_mem>>
      %dma_start3A_141 = tpu.memref_slice %arg2[%select_n3A, %mul3A_32] : memref<4x5120xf32, #tpu.memory_space<hbm>> -> memref<1x640xf32, #tpu.memory_space<hbm>>
      %dma_start3A_142 = tpu.memref_squeeze %dma_start3A_141 : memref<1x640xf32, #tpu.memory_space<hbm>> -> memref<640xf32, #tpu.memory_space<hbm>>
      %dma_start3A_143 = tpu.memref_slice %arg2[%select_n3A, %mul3A_32] : memref<4x5120xf32, #tpu.memory_space<hbm>> -> memref<1x640xf32, #tpu.memory_space<hbm>>
      %dma_start3A_144 = tpu.memref_squeeze %dma_start3A_143 : memref<1x640xf32, #tpu.memory_space<hbm>> -> memref<640xf32, #tpu.memory_space<hbm>>
      tpu.enqueue_dma source(%dma_start3A_144 : memref<640xf32, #tpu.memory_space<hbm>>) target(%arg17 : memref<640xf32, #tpu.memory_space<vmem>>) target_semaphore(%run_scoped3A : memref<!tpu.dma_semaphore, #tpu.memory_space<semaphore_mem>>)
      %dma_wait3A_145 = tpu.memref_slice %arg2[%select_n3A, %mul3A_32] : memref<4x5120xf32, #tpu.memory_space<hbm>> -> memref<1x640xf32, #tpu.memory_space<hbm>>
      %dma_wait3A_146 = tpu.memref_squeeze %dma_wait3A_145 : memref<1x640xf32, #tpu.memory_space<hbm>> -> memref<640xf32, #tpu.memory_space<hbm>>
      %dma_wait3A_147 = tpu.memref_slice %arg2[%select_n3A, %mul3A_32] : memref<4x5120xf32, #tpu.memory_space<hbm>> -> memref<1x640xf32, #tpu.memory_space<hbm>>
      %dma_wait3A_148 = tpu.memref_squeeze %dma_wait3A_147 : memref<1x640xf32, #tpu.memory_space<hbm>> -> memref<640xf32, #tpu.memory_space<hbm>>
      tpu.wait_dma2 semaphore(%run_scoped3A : memref<!tpu.dma_semaphore, #tpu.memory_space<semaphore_mem>>) src(%dma_wait3A_148 : memref<640xf32, #tpu.memory_space<hbm>>) dst(%arg17 : memref<640xf32, #tpu.memory_space<vmem>>)
      tpu.yield
    }) : () -> ()
    "tpu.region"() ({
      %run_scoped3A = tpu.sem_alloc : memref<!tpu.dma_semaphore, #tpu.memory_space<semaphore_mem>>
      %dma_start3A_141 = tpu.memref_slice %arg3[%select_n3A, %mul3A_32] : memref<4x5120xf32, #tpu.memory_space<hbm>> -> memref<1x640xf32, #tpu.memory_space<hbm>>
      %dma_start3A_142 = tpu.memref_squeeze %dma_start3A_141 : memref<1x640xf32, #tpu.memory_space<hbm>> -> memref<640xf32, #tpu.memory_space<hbm>>
      %dma_start3A_143 = tpu.memref_slice %arg3[%select_n3A, %mul3A_32] : memref<4x5120xf32, #tpu.memory_space<hbm>> -> memref<1x640xf32, #tpu.memory_space<hbm>>
      %dma_start3A_144 = tpu.memref_squeeze %dma_start3A_143 : memref<1x640xf32, #tpu.memory_space<hbm>> -> memref<640xf32, #tpu.memory_space<hbm>>
      tpu.enqueue_dma source(%dma_start3A_144 : memref<640xf32, #tpu.memory_space<hbm>>) target(%arg18 : memref<640xf32, #tpu.memory_space<vmem>>) target_semaphore(%run_scoped3A : memref<!tpu.dma_semaphore, #tpu.memory_space<semaphore_mem>>)
      %dma_wait3A_145 = tpu.memref_slice %arg3[%select_n3A, %mul3A_32] : memref<4x5120xf32, #tpu.memory_space<hbm>> -> memref<1x640xf32, #tpu.memory_space<hbm>>
      %dma_wait3A_146 = tpu.memref_squeeze %dma_wait3A_145 : memref<1x640xf32, #tpu.memory_space<hbm>> -> memref<640xf32, #tpu.memory_space<hbm>>
      %dma_wait3A_147 = tpu.memref_slice %arg3[%select_n3A, %mul3A_32] : memref<4x5120xf32, #tpu.memory_space<hbm>> -> memref<1x640xf32, #tpu.memory_space<hbm>>
      %dma_wait3A_148 = tpu.memref_squeeze %dma_wait3A_147 : memref<1x640xf32, #tpu.memory_space<hbm>> -> memref<640xf32, #tpu.memory_space<hbm>>
      tpu.wait_dma2 semaphore(%run_scoped3A : memref<!tpu.dma_semaphore, #tpu.memory_space<semaphore_mem>>) src(%dma_wait3A_148 : memref<640xf32, #tpu.memory_space<hbm>>) dst(%arg18 : memref<640xf32, #tpu.memory_space<vmem>>)
      tpu.yield
    }) : () -> ()
    "tpu.region"() ({
      %run_scoped3A = tpu.sem_alloc : memref<!tpu.dma_semaphore, #tpu.memory_space<semaphore_mem>>
      %dma_start3A_141 = tpu.memref_slice %arg4[%select_n3A, %mul3A_32] : memref<4x5120xf32, #tpu.memory_space<hbm>> -> memref<1x640xf32, #tpu.memory_space<hbm>>
      %dma_start3A_142 = tpu.memref_squeeze %dma_start3A_141 : memref<1x640xf32, #tpu.memory_space<hbm>> -> memref<640xf32, #tpu.memory_space<hbm>>
      %dma_start3A_143 = tpu.memref_slice %arg4[%select_n3A, %mul3A_32] : memref<4x5120xf32, #tpu.memory_space<hbm>> -> memref<1x640xf32, #tpu.memory_space<hbm>>
      %dma_start3A_144 = tpu.memref_squeeze %dma_start3A_143 : memref<1x640xf32, #tpu.memory_space<hbm>> -> memref<640xf32, #tpu.memory_space<hbm>>
      tpu.enqueue_dma source(%dma_start3A_144 : memref<640xf32, #tpu.memory_space<hbm>>) target(%arg19 : memref<640xf32, #tpu.memory_space<vmem>>) target_semaphore(%run_scoped3A : memref<!tpu.dma_semaphore, #tpu.memory_space<semaphore_mem>>)
      %dma_wait3A_145 = tpu.memref_slice %arg4[%select_n3A, %mul3A_32] : memref<4x5120xf32, #tpu.memory_space<hbm>> -> memref<1x640xf32, #tpu.memory_space<hbm>>
      %dma_wait3A_146 = tpu.memref_squeeze %dma_wait3A_145 : memref<1x640xf32, #tpu.memory_space<hbm>> -> memref<640xf32, #tpu.memory_space<hbm>>
      %dma_wait3A_147 = tpu.memref_slice %arg4[%select_n3A, %mul3A_32] : memref<4x5120xf32, #tpu.memory_space<hbm>> -> memref<1x640xf32, #tpu.memory_space<hbm>>
      %dma_wait3A_148 = tpu.memref_squeeze %dma_wait3A_147 : memref<1x640xf32, #tpu.memory_space<hbm>> -> memref<640xf32, #tpu.memory_space<hbm>>
      tpu.wait_dma2 semaphore(%run_scoped3A : memref<!tpu.dma_semaphore, #tpu.memory_space<semaphore_mem>>) src(%dma_wait3A_148 : memref<640xf32, #tpu.memory_space<hbm>>) dst(%arg19 : memref<640xf32, #tpu.memory_space<vmem>>)
      tpu.yield
    }) : () -> ()
    "tpu.region"() ({
      %run_scoped3A = tpu.sem_alloc : memref<!tpu.dma_semaphore, #tpu.memory_space<semaphore_mem>>
      %dma_start3A_141 = tpu.memref_slice %arg5[%select_n3A, %mul3A_32] : memref<4x5120xf32, #tpu.memory_space<hbm>> -> memref<1x640xf32, #tpu.memory_space<hbm>>
      %dma_start3A_142 = tpu.memref_squeeze %dma_start3A_141 : memref<1x640xf32, #tpu.memory_space<hbm>> -> memref<640xf32, #tpu.memory_space<hbm>>
      %dma_start3A_143 = tpu.memref_slice %arg5[%select_n3A, %mul3A_32] : memref<4x5120xf32, #tpu.memory_space<hbm>> -> memref<1x640xf32, #tpu.memory_space<hbm>>
      %dma_start3A_144 = tpu.memref_squeeze %dma_start3A_143 : memref<1x640xf32, #tpu.memory_space<hbm>> -> memref<640xf32, #tpu.memory_space<hbm>>
      tpu.enqueue_dma source(%dma_start3A_144 : memref<640xf32, #tpu.memory_space<hbm>>) target(%arg20 : memref<640xf32, #tpu.memory_space<vmem>>) target_semaphore(%run_scoped3A : memref<!tpu.dma_semaphore, #tpu.memory_space<semaphore_mem>>)
      %dma_wait3A_145 = tpu.memref_slice %arg5[%select_n3A, %mul3A_32] : memref<4x5120xf32, #tpu.memory_space<hbm>> -> memref<1x640xf32, #tpu.memory_space<hbm>>
      %dma_wait3A_146 = tpu.memref_squeeze %dma_wait3A_145 : memref<1x640xf32, #tpu.memory_space<hbm>> -> memref<640xf32, #tpu.memory_space<hbm>>
      %dma_wait3A_147 = tpu.memref_slice %arg5[%select_n3A, %mul3A_32] : memref<4x5120xf32, #tpu.memory_space<hbm>> -> memref<1x640xf32, #tpu.memory_space<hbm>>
      %dma_wait3A_148 = tpu.memref_squeeze %dma_wait3A_147 : memref<1x640xf32, #tpu.memory_space<hbm>> -> memref<640xf32, #tpu.memory_space<hbm>>
      tpu.wait_dma2 semaphore(%run_scoped3A : memref<!tpu.dma_semaphore, #tpu.memory_space<semaphore_mem>>) src(%dma_wait3A_148 : memref<640xf32, #tpu.memory_space<hbm>>) dst(%arg20 : memref<640xf32, #tpu.memory_space<vmem>>)
      tpu.yield
    }) : () -> ()
    "tpu.region"() ({
      %run_scoped3A = tpu.sem_alloc : memref<!tpu.dma_semaphore, #tpu.memory_space<semaphore_mem>>
      %dma_start3A_141 = tpu.memref_slice %arg6[%select_n3A, %mul3A_32] : memref<4x5120xf32, #tpu.memory_space<hbm>> -> memref<1x640xf32, #tpu.memory_space<hbm>>
      %dma_start3A_142 = tpu.memref_squeeze %dma_start3A_141 : memref<1x640xf32, #tpu.memory_space<hbm>> -> memref<640xf32, #tpu.memory_space<hbm>>
      %dma_start3A_143 = tpu.memref_slice %arg6[%select_n3A, %mul3A_32] : memref<4x5120xf32, #tpu.memory_space<hbm>> -> memref<1x640xf32, #tpu.memory_space<hbm>>
      %dma_start3A_144 = tpu.memref_squeeze %dma_start3A_143 : memref<1x640xf32, #tpu.memory_space<hbm>> -> memref<640xf32, #tpu.memory_space<hbm>>
      tpu.enqueue_dma source(%dma_start3A_144 : memref<640xf32, #tpu.memory_space<hbm>>) target(%arg21 : memref<640xf32, #tpu.memory_space<vmem>>) target_semaphore(%run_scoped3A : memref<!tpu.dma_semaphore, #tpu.memory_space<semaphore_mem>>)
      %dma_wait3A_145 = tpu.memref_slice %arg6[%select_n3A, %mul3A_32] : memref<4x5120xf32, #tpu.memory_space<hbm>> -> memref<1x640xf32, #tpu.memory_space<hbm>>
      %dma_wait3A_146 = tpu.memref_squeeze %dma_wait3A_145 : memref<1x640xf32, #tpu.memory_space<hbm>> -> memref<640xf32, #tpu.memory_space<hbm>>
      %dma_wait3A_147 = tpu.memref_slice %arg6[%select_n3A, %mul3A_32] : memref<4x5120xf32, #tpu.memory_space<hbm>> -> memref<1x640xf32, #tpu.memory_space<hbm>>
      %dma_wait3A_148 = tpu.memref_squeeze %dma_wait3A_147 : memref<1x640xf32, #tpu.memory_space<hbm>> -> memref<640xf32, #tpu.memory_space<hbm>>
      tpu.wait_dma2 semaphore(%run_scoped3A : memref<!tpu.dma_semaphore, #tpu.memory_space<semaphore_mem>>) src(%dma_wait3A_148 : memref<640xf32, #tpu.memory_space<hbm>>) dst(%arg21 : memref<640xf32, #tpu.memory_space<vmem>>)
      tpu.yield
    }) : () -> ()
    "tpu.region"() ({
      %run_scoped3A = tpu.sem_alloc : memref<!tpu.dma_semaphore, #tpu.memory_space<semaphore_mem>>
      %dma_start3A_141 = tpu.memref_slice %arg7[%select_n3A, %mul3A_32] : memref<4x5120xf32, #tpu.memory_space<hbm>> -> memref<1x640xf32, #tpu.memory_space<hbm>>
      %dma_start3A_142 = tpu.memref_squeeze %dma_start3A_141 : memref<1x640xf32, #tpu.memory_space<hbm>> -> memref<640xf32, #tpu.memory_space<hbm>>
      %dma_start3A_143 = tpu.memref_slice %arg7[%select_n3A, %mul3A_32] : memref<4x5120xf32, #tpu.memory_space<hbm>> -> memref<1x640xf32, #tpu.memory_space<hbm>>
      %dma_start3A_144 = tpu.memref_squeeze %dma_start3A_143 : memref<1x640xf32, #tpu.memory_space<hbm>> -> memref<640xf32, #tpu.memory_space<hbm>>
      tpu.enqueue_dma source(%dma_start3A_144 : memref<640xf32, #tpu.memory_space<hbm>>) target(%arg22 : memref<640xf32, #tpu.memory_space<vmem>>) target_semaphore(%run_scoped3A : memref<!tpu.dma_semaphore, #tpu.memory_space<semaphore_mem>>)
      %dma_wait3A_145 = tpu.memref_slice %arg7[%select_n3A, %mul3A_32] : memref<4x5120xf32, #tpu.memory_space<hbm>> -> memref<1x640xf32, #tpu.memory_space<hbm>>
      %dma_wait3A_146 = tpu.memref_squeeze %dma_wait3A_145 : memref<1x640xf32, #tpu.memory_space<hbm>> -> memref<640xf32, #tpu.memory_space<hbm>>
      %dma_wait3A_147 = tpu.memref_slice %arg7[%select_n3A, %mul3A_32] : memref<4x5120xf32, #tpu.memory_space<hbm>> -> memref<1x640xf32, #tpu.memory_space<hbm>>
      %dma_wait3A_148 = tpu.memref_squeeze %dma_wait3A_147 : memref<1x640xf32, #tpu.memory_space<hbm>> -> memref<640xf32, #tpu.memory_space<hbm>>
      tpu.wait_dma2 semaphore(%run_scoped3A : memref<!tpu.dma_semaphore, #tpu.memory_space<semaphore_mem>>) src(%dma_wait3A_148 : memref<640xf32, #tpu.memory_space<hbm>>) dst(%arg22 : memref<640xf32, #tpu.memory_space<vmem>>)
      tpu.yield
    }) : () -> ()
    "tpu.region"() ({
      %run_scoped3A = tpu.sem_alloc : memref<!tpu.dma_semaphore, #tpu.memory_space<semaphore_mem>>
      %dma_start3A_141 = tpu.memref_slice %arg8[%select_n3A, %mul3A_32] : memref<4x5120xf32, #tpu.memory_space<hbm>> -> memref<1x640xf32, #tpu.memory_space<hbm>>
      %dma_start3A_142 = tpu.memref_squeeze %dma_start3A_141 : memref<1x640xf32, #tpu.memory_space<hbm>> -> memref<640xf32, #tpu.memory_space<hbm>>
      %dma_start3A_143 = tpu.memref_slice %arg8[%select_n3A, %mul3A_32] : memref<4x5120xf32, #tpu.memory_space<hbm>> -> memref<1x640xf32, #tpu.memory_space<hbm>>
      %dma_start3A_144 = tpu.memref_squeeze %dma_start3A_143 : memref<1x640xf32, #tpu.memory_space<hbm>> -> memref<640xf32, #tpu.memory_space<hbm>>
      tpu.enqueue_dma source(%dma_start3A_144 : memref<640xf32, #tpu.memory_space<hbm>>) target(%arg23 : memref<640xf32, #tpu.memory_space<vmem>>) target_semaphore(%run_scoped3A : memref<!tpu.dma_semaphore, #tpu.memory_space<semaphore_mem>>)
      %dma_wait3A_145 = tpu.memref_slice %arg8[%select_n3A, %mul3A_32] : memref<4x5120xf32, #tpu.memory_space<hbm>> -> memref<1x640xf32, #tpu.memory_space<hbm>>
      %dma_wait3A_146 = tpu.memref_squeeze %dma_wait3A_145 : memref<1x640xf32, #tpu.memory_space<hbm>> -> memref<640xf32, #tpu.memory_space<hbm>>
      %dma_wait3A_147 = tpu.memref_slice %arg8[%select_n3A, %mul3A_32] : memref<4x5120xf32, #tpu.memory_space<hbm>> -> memref<1x640xf32, #tpu.memory_space<hbm>>
      %dma_wait3A_148 = tpu.memref_squeeze %dma_wait3A_147 : memref<1x640xf32, #tpu.memory_space<hbm>> -> memref<640xf32, #tpu.memory_space<hbm>>
      tpu.wait_dma2 semaphore(%run_scoped3A : memref<!tpu.dma_semaphore, #tpu.memory_space<semaphore_mem>>) src(%dma_wait3A_148 : memref<640xf32, #tpu.memory_space<hbm>>) dst(%arg23 : memref<640xf32, #tpu.memory_space<vmem>>)
      tpu.yield
    }) : () -> ()
    "tpu.region"() ({
      %run_scoped3A = tpu.sem_alloc : memref<!tpu.dma_semaphore, #tpu.memory_space<semaphore_mem>>
      %dma_start3A_141 = tpu.memref_slice %arg9[%select_n3A, %mul3A_32] : memref<4x5120xf32, #tpu.memory_space<hbm>> -> memref<1x640xf32, #tpu.memory_space<hbm>>
      %dma_start3A_142 = tpu.memref_squeeze %dma_start3A_141 : memref<1x640xf32, #tpu.memory_space<hbm>> -> memref<640xf32, #tpu.memory_space<hbm>>
      %dma_start3A_143 = tpu.memref_slice %arg9[%select_n3A, %mul3A_32] : memref<4x5120xf32, #tpu.memory_space<hbm>> -> memref<1x640xf32, #tpu.memory_space<hbm>>
      %dma_start3A_144 = tpu.memref_squeeze %dma_start3A_143 : memref<1x640xf32, #tpu.memory_space<hbm>> -> memref<640xf32, #tpu.memory_space<hbm>>
      tpu.enqueue_dma source(%dma_start3A_144 : memref<640xf32, #tpu.memory_space<hbm>>) target(%arg24 : memref<640xf32, #tpu.memory_space<vmem>>) target_semaphore(%run_scoped3A : memref<!tpu.dma_semaphore, #tpu.memory_space<semaphore_mem>>)
      %dma_wait3A_145 = tpu.memref_slice %arg9[%select_n3A, %mul3A_32] : memref<4x5120xf32, #tpu.memory_space<hbm>> -> memref<1x640xf32, #tpu.memory_space<hbm>>
      %dma_wait3A_146 = tpu.memref_squeeze %dma_wait3A_145 : memref<1x640xf32, #tpu.memory_space<hbm>> -> memref<640xf32, #tpu.memory_space<hbm>>
      %dma_wait3A_147 = tpu.memref_slice %arg9[%select_n3A, %mul3A_32] : memref<4x5120xf32, #tpu.memory_space<hbm>> -> memref<1x640xf32, #tpu.memory_space<hbm>>
      %dma_wait3A_148 = tpu.memref_squeeze %dma_wait3A_147 : memref<1x640xf32, #tpu.memory_space<hbm>> -> memref<640xf32, #tpu.memory_space<hbm>>
      tpu.wait_dma2 semaphore(%run_scoped3A : memref<!tpu.dma_semaphore, #tpu.memory_space<semaphore_mem>>) src(%dma_wait3A_148 : memref<640xf32, #tpu.memory_space<hbm>>) dst(%arg24 : memref<640xf32, #tpu.memory_space<vmem>>)
      tpu.yield
    }) : () -> ()
    "tpu.region"() ({
      %run_scoped3A = tpu.sem_alloc : memref<!tpu.dma_semaphore, #tpu.memory_space<semaphore_mem>>
      %dma_start3A_141 = arith.constant 0 : i32
      %dma_start3A_142 = tpu.memref_slice %arg10[%select_n3A, %dma_start3A_141] : memref<4x256xf32, #tpu.memory_space<hbm>> -> memref<1x256xf32, #tpu.memory_space<hbm>>
      %dma_start3A_143 = tpu.memref_squeeze %dma_start3A_142 : memref<1x256xf32, #tpu.memory_space<hbm>> -> memref<256xf32, #tpu.memory_space<hbm>>
      %dma_start3A_144 = arith.constant 0 : i32
      %dma_start3A_145 = tpu.memref_slice %arg10[%select_n3A, %dma_start3A_144] : memref<4x256xf32, #tpu.memory_space<hbm>> -> memref<1x256xf32, #tpu.memory_space<hbm>>
      %dma_start3A_146 = tpu.memref_squeeze %dma_start3A_145 : memref<1x256xf32, #tpu.memory_space<hbm>> -> memref<256xf32, #tpu.memory_space<hbm>>
      tpu.enqueue_dma source(%dma_start3A_146 : memref<256xf32, #tpu.memory_space<hbm>>) target(%arg25 : memref<256xf32, #tpu.memory_space<vmem>>) target_semaphore(%run_scoped3A : memref<!tpu.dma_semaphore, #tpu.memory_space<semaphore_mem>>)
      %dma_wait3A_147 = arith.constant 0 : i32
      %dma_wait3A_148 = tpu.memref_slice %arg10[%select_n3A, %dma_wait3A_147] : memref<4x256xf32, #tpu.memory_space<hbm>> -> memref<1x256xf32, #tpu.memory_space<hbm>>
      %dma_wait3A_149 = tpu.memref_squeeze %dma_wait3A_148 : memref<1x256xf32, #tpu.memory_space<hbm>> -> memref<256xf32, #tpu.memory_space<hbm>>
      %dma_wait3A_150 = arith.constant 0 : i32
      %dma_wait3A_151 = tpu.memref_slice %arg10[%select_n3A, %dma_wait3A_150] : memref<4x256xf32, #tpu.memory_space<hbm>> -> memref<1x256xf32, #tpu.memory_space<hbm>>
      %dma_wait3A_152 = tpu.memref_squeeze %dma_wait3A_151 : memref<1x256xf32, #tpu.memory_space<hbm>> -> memref<256xf32, #tpu.memory_space<hbm>>
      tpu.wait_dma2 semaphore(%run_scoped3A : memref<!tpu.dma_semaphore, #tpu.memory_space<semaphore_mem>>) src(%dma_wait3A_152 : memref<256xf32, #tpu.memory_space<hbm>>) dst(%arg25 : memref<256xf32, #tpu.memory_space<vmem>>)
      tpu.yield
    }) : () -> ()
    "tpu.region"() ({
      %run_scoped3A = tpu.sem_alloc : memref<!tpu.dma_semaphore, #tpu.memory_space<semaphore_mem>>
      %dma_start3A_141 = arith.constant 0 : i32
      %dma_start3A_142 = tpu.memref_slice %arg11[%select_n3A, %dma_start3A_141] : memref<4x64xi32, #tpu.memory_space<hbm>> -> memref<1x64xi32, #tpu.memory_space<hbm>>
      %dma_start3A_143 = tpu.memref_squeeze %dma_start3A_142 : memref<1x64xi32, #tpu.memory_space<hbm>> -> memref<64xi32, #tpu.memory_space<hbm>>
      %dma_start3A_144 = arith.constant 0 : i32
      %dma_start3A_145 = tpu.memref_slice %arg11[%select_n3A, %dma_start3A_144] : memref<4x64xi32, #tpu.memory_space<hbm>> -> memref<1x64xi32, #tpu.memory_space<hbm>>
      %dma_start3A_146 = tpu.memref_squeeze %dma_start3A_145 : memref<1x64xi32, #tpu.memory_space<hbm>> -> memref<64xi32, #tpu.memory_space<hbm>>
      tpu.enqueue_dma source(%dma_start3A_146 : memref<64xi32, #tpu.memory_space<hbm>>) target(%arg26 : memref<64xi32, #tpu.memory_space<vmem>>) target_semaphore(%run_scoped3A : memref<!tpu.dma_semaphore, #tpu.memory_space<semaphore_mem>>)
      %dma_wait3A_147 = arith.constant 0 : i32
      %dma_wait3A_148 = tpu.memref_slice %arg11[%select_n3A, %dma_wait3A_147] : memref<4x64xi32, #tpu.memory_space<hbm>> -> memref<1x64xi32, #tpu.memory_space<hbm>>
      %dma_wait3A_149 = tpu.memref_squeeze %dma_wait3A_148 : memref<1x64xi32, #tpu.memory_space<hbm>> -> memref<64xi32, #tpu.memory_space<hbm>>
      %dma_wait3A_150 = arith.constant 0 : i32
      %dma_wait3A_151 = tpu.memref_slice %arg11[%select_n3A, %dma_wait3A_150] : memref<4x64xi32, #tpu.memory_space<hbm>> -> memref<1x64xi32, #tpu.memory_space<hbm>>
      %dma_wait3A_152 = tpu.memref_squeeze %dma_wait3A_151 : memref<1x64xi32, #tpu.memory_space<hbm>> -> memref<64xi32, #tpu.memory_space<hbm>>
      tpu.wait_dma2 semaphore(%run_scoped3A : memref<!tpu.dma_semaphore, #tpu.memory_space<semaphore_mem>>) src(%dma_wait3A_152 : memref<64xi32, #tpu.memory_space<hbm>>) dst(%arg26 : memref<64xi32, #tpu.memory_space<vmem>>)
      tpu.yield
    }) : () -> ()
    "tpu.region"() ({
      %run_scoped3A = tpu.sem_alloc : memref<!tpu.dma_semaphore, #tpu.memory_space<semaphore_mem>>
      tpu.enqueue_dma source(%arg13 : memref<2048xf32, #tpu.memory_space<hbm>>) target(%arg27 : memref<2048xf32, #tpu.memory_space<vmem>>) target_semaphore(%run_scoped3A : memref<!tpu.dma_semaphore, #tpu.memory_space<semaphore_mem>>)
      tpu.wait_dma2 semaphore(%run_scoped3A : memref<!tpu.dma_semaphore, #tpu.memory_space<semaphore_mem>>) src(%arg13 : memref<2048xf32, #tpu.memory_space<hbm>>) dst(%arg27 : memref<2048xf32, #tpu.memory_space<vmem>>)
      tpu.yield
    }) : () -> ()
    "tpu.region"() ({
      %run_scoped3A = tpu.sem_alloc : memref<!tpu.dma_semaphore, #tpu.memory_space<semaphore_mem>>
      tpu.enqueue_dma source(%arg14 : memref<2048xi32, #tpu.memory_space<hbm>>) target(%arg28 : memref<2048xi32, #tpu.memory_space<vmem>>) target_semaphore(%run_scoped3A : memref<!tpu.dma_semaphore, #tpu.memory_space<semaphore_mem>>)
      tpu.wait_dma2 semaphore(%run_scoped3A : memref<!tpu.dma_semaphore, #tpu.memory_space<semaphore_mem>>) src(%arg14 : memref<2048xi32, #tpu.memory_space<hbm>>) dst(%arg28 : memref<2048xi32, #tpu.memory_space<vmem>>)
      tpu.yield
    }) : () -> ()
    %mul3A_33 = arith.constant 640 : i32
    %mul3A_34 = arith.muli %add3A, %mul3A_33 : i32
    "tpu.region"() ({
      %run_scoped3A = tpu.sem_alloc : memref<!tpu.dma_semaphore, #tpu.memory_space<semaphore_mem>>
      %dma_start3A_141 = tpu.memref_slice %arg15[%mul3A_34] : memref<20480xi32, #tpu.memory_space<hbm>> -> memref<640xi32, #tpu.memory_space<hbm>>
      %dma_start3A_142 = tpu.memref_slice %arg15[%mul3A_34] : memref<20480xi32, #tpu.memory_space<hbm>> -> memref<640xi32, #tpu.memory_space<hbm>>
      tpu.enqueue_dma source(%dma_start3A_142 : memref<640xi32, #tpu.memory_space<hbm>>) target(%arg29 : memref<640xi32, #tpu.memory_space<vmem>>) target_semaphore(%run_scoped3A : memref<!tpu.dma_semaphore, #tpu.memory_space<semaphore_mem>>)
      %dma_wait3A_143 = tpu.memref_slice %arg15[%mul3A_34] : memref<20480xi32, #tpu.memory_space<hbm>> -> memref<640xi32, #tpu.memory_space<hbm>>
      %dma_wait3A_144 = tpu.memref_slice %arg15[%mul3A_34] : memref<20480xi32, #tpu.memory_space<hbm>> -> memref<640xi32, #tpu.memory_space<hbm>>
      tpu.wait_dma2 semaphore(%run_scoped3A : memref<!tpu.dma_semaphore, #tpu.memory_space<semaphore_mem>>) src(%dma_wait3A_144 : memref<640xi32, #tpu.memory_space<hbm>>) dst(%arg29 : memref<640xi32, #tpu.memory_space<vmem>>)
      tpu.yield
    }) : () -> ()
    %iota3A = tpu.iota {dimensions = array<i32: 0>} : vector<16xi32>
    %mul3A_35 = arith.constant 8 : i32
    %mul3A_36 = arith.muli %select_n3A, %mul3A_35 : i32
    %min3A = arith.constant 7 : i32
    %min3A_37 = vector.broadcast %min3A : i32 to vector<16xi32>
    %min3A_38 = arith.minsi %iota3A, %min3A_37 : vector<16xi32>
    %add3A_39 = vector.broadcast %mul3A_36 : i32 to vector<16xi32>
    %add3A_40 = arith.addi %add3A_39, %min3A_38 : vector<16xi32>
    %scan3A = arith.constant 0 : i32
    %scan3A_41 = arith.constant 0 : i32
    %scan3A_42 = arith.constant 50 : i32
    %scan3A_43 = arith.addi %scan3A_41, %scan3A_42 : i32
    %scan3A_44 = arith.constant 1 : i32
    %scan3A_45 = scf.for %scan3A_141 = %scan3A_41 to %scan3A_43 step %scan3A_44 iter_args(%scan3A_142 = %scan3A) -> (i32)  : i32 {
      %broadcast_in_dim3A_143 = vector.broadcast %scan3A_141 : i32 to vector<16xi32>
      %mul3A_144 = arith.constant 64 : i32
      %mul3A_145 = vector.broadcast %mul3A_144 : i32 to vector<16xi32>
      %mul3A_146 = arith.muli %add3A_40, %mul3A_145 : vector<16xi32>
      %add3A_147 = arith.addi %mul3A_146, %broadcast_in_dim3A_143 : vector<16xi32>
      %gather3A = tpu.vector_load_idx %arg27[%add3A_147] : memref<2048xf32, #tpu.memory_space<vmem>>[vector<16xi32>], vector<16xf32>,
      %gather3A_148 = tpu.vector_load_idx %arg28[%add3A_147] : memref<2048xi32, #tpu.memory_space<vmem>>[vector<16xi32>], vector<16xi32>,
      %lt3A_149 = arith.constant 8 : i32
      %lt3A_150 = vector.broadcast %lt3A_149 : i32 to vector<16xi32>
      %lt3A_151 = arith.cmpi slt, %iota3A, %lt3A_150 : vector<16xi32>
      %jit3A_152 = arith.constant -2.000000e+00 : f32
      %broadcast_in_dim3A_153 = vector.broadcast %jit3A_152 : f32 to vector<16xf32>
      %select_n3A_154 = arith.select %lt3A_151, %gather3A, %broadcast_in_dim3A_153 : vector<16xi1>, vector<16xf32>
      %reduce_max3A = arith.constant true
      %reduce_max3A_155 = vector.broadcast %reduce_max3A : i1 to vector<16xi1>
      %reduce_max3A_156 = tpu.scan <max>, %select_n3A_154 masked %reduce_max3A_155 : vector<16xf32>, vector<16xi1> -> vector<16xf32>
      %reduce_max3A_157 = vector.extract %reduce_max3A_156[15] : f32 from vector<16xf32>
      %eq3A_158 = vector.broadcast %reduce_max3A_157 : f32 to vector<16xf32>
      %eq3A_159 = arith.cmpf oeq, %select_n3A_154, %eq3A_158 : vector<16xf32>
      %jit3A_160 = arith.constant 1073741824 : i32
      %broadcast_in_dim3A_161 = vector.broadcast %jit3A_160 : i32 to vector<16xi32>
      %select_n3A_162 = arith.select %eq3A_159, %gather3A_148, %broadcast_in_dim3A_161 : vector<16xi1>, vector<16xi32>
      %reduce_min3A = arith.constant true
      %reduce_min3A_163 = vector.broadcast %reduce_min3A : i1 to vector<16xi1>
      %reduce_min3A_164 = arith.constant -2147483648 : i32
      %reduce_min3A_165 = vector.broadcast %reduce_min3A_164 : i32 to vector<16xi32>
      %reduce_min3A_166 = arith.xori %select_n3A_162, %reduce_min3A_165 : vector<16xi32>
      %reduce_min3A_167 = tpu.scan <min>, %reduce_min3A_166 masked %reduce_min3A_163 : vector<16xi32>, vector<16xi1> -> vector<16xi32>
      %reduce_min3A_168 = arith.xori %reduce_min3A_167, %reduce_min3A_165 : vector<16xi32>
      %reduce_min3A_169 = vector.extract %reduce_min3A_168[15] : i32 from vector<16xi32>
      %broadcast_in_dim3A_170 = vector.broadcast %reduce_min3A_169 : i32 to vector<16xi32>
      %eq3A_171 = arith.constant 0 : i32
      %eq3A_172 = vector.broadcast %eq3A_171 : i32 to vector<16xi32>
      %eq3A_173 = arith.cmpi eq, %iota3A, %eq3A_172 : vector<16xi32>
      tpu.vector_store_idx %arg30[%broadcast_in_dim3A_143], %broadcast_in_dim3A_170 masked %eq3A_173 : memref<64xi32, #tpu.memory_space<vmem>>[vector<16xi32>], vector<16xi32>, vector<16xi1>
      %scan3A_174 = arith.constant 0 : i32
      scf.yield %scan3A_174 : i32
    }
    %scan3A_46 = arith.constant 50 : i32
    %scan3A_47 = arith.constant 0 : i32
    %scan3A_48 = arith.constant 0 : i32
    %scan3A_49 = arith.constant 40 : i32
    %scan3A_50 = arith.addi %scan3A_48, %scan3A_49 : i32
    %scan3A_51 = arith.constant 1 : i32
    %scan3A_52 = scf.for %scan3A_141 = %scan3A_48 to %scan3A_50 step %scan3A_51 iter_args(%scan3A_142 = %scan3A_47) -> (i32)  : i32 {
      %broadcast_in_dim3A_143 = arith.constant -1 : i32
      %broadcast_in_dim3A_144 = vector.broadcast %broadcast_in_dim3A_143 : i32 to vector<16xi32>
      %mul3A_145 = arith.constant 16 : i32
      %mul3A_146 = arith.muli %scan3A_141, %mul3A_145 : i32
      %swap3A_147 = arith.index_cast %mul3A_146 : i32 to index
      %swap3A_148 = tpu.vector_load %arg31[%swap3A_147] {strides = array<i32>} : memref<640xi32, #tpu.memory_space<vmem>>, vector<16xi32>,
      tpu.vector_store %arg31[%swap3A_147], %broadcast_in_dim3A_144 {strides = array<i32>} : memref<640xi32, #tpu.memory_space<vmem>>, vector<16xi32>,
      %scan3A_149 = arith.constant 0 : i32
      scf.yield %scan3A_149 : i32
    }
    %scan3A_53 = arith.constant 40 : i32
    %scan3A_54 = arith.constant 0 : i32
    %scan3A_55 = arith.constant 0 : i32
    %scan3A_56 = arith.constant 50 : i32
    %scan3A_57 = arith.addi %scan3A_55, %scan3A_56 : i32
    %scan3A_58 = arith.constant 1 : i32
    %scan3A_59 = scf.for %scan3A_141 = %scan3A_55 to %scan3A_57 step %scan3A_58 iter_args(%scan3A_142 = %scan3A_54) -> (i32)  : i32 {
      %broadcast_in_dim3A_143 = vector.broadcast %scan3A_141 : i32 to vector<16xi32>
      %gather3A = tpu.vector_load_idx %arg30[%broadcast_in_dim3A_143] : memref<64xi32, #tpu.memory_space<vmem>>[vector<16xi32>], vector<16xi32>,
      %sub3A_144 = vector.broadcast %mul3A_32 : i32 to vector<16xi32>
      %sub3A_145 = arith.subi %gather3A, %sub3A_144 : vector<16xi32>
      %ge3A = arith.constant 0 : i32
      %ge3A_146 = vector.broadcast %ge3A : i32 to vector<16xi32>
      %ge3A_147 = arith.cmpi sge, %sub3A_145, %ge3A_146 : vector<16xi32>
      %lt3A_148 = arith.constant 640 : i32
      %lt3A_149 = vector.broadcast %lt3A_148 : i32 to vector<16xi32>
      %lt3A_150 = arith.cmpi slt, %sub3A_145, %lt3A_149 : vector<16xi32>
      %and3A_151 = arith.andi %ge3A_147, %lt3A_150 : vector<16xi1>
      %jit3A_152 = arith.constant 0 : i32
      %jit3A_153 = arith.constant 639 : i32
      %max3A = vector.broadcast %jit3A_152 : i32 to vector<16xi32>
      %max3A_154 = arith.maxsi %max3A, %sub3A_145 : vector<16xi32>
      %min3A_155 = vector.broadcast %jit3A_153 : i32 to vector<16xi32>
      %min3A_156 = arith.minsi %min3A_155, %max3A_154 : vector<16xi32>
      %broadcast_in_dim3A_157 = vector.broadcast %scan3A_141 : i32 to vector<16xi32>
      %eq3A_158 = arith.constant 0 : i32
      %eq3A_159 = vector.broadcast %eq3A_158 : i32 to vector<16xi32>
      %eq3A_160 = arith.cmpi eq, %iota3A, %eq3A_159 : vector<16xi32>
      %and3A_161 = arith.andi %eq3A_160, %and3A_151 : vector<16xi1>
      tpu.vector_store_idx %arg31[%min3A_156], %broadcast_in_dim3A_157 masked %and3A_161 : memref<640xi32, #tpu.memory_space<vmem>>[vector<16xi32>], vector<16xi32>, vector<16xi1>
      %scan3A_162 = arith.constant 0 : i32
      scf.yield %scan3A_162 : i32
    }
    %scan3A_60 = arith.constant 50 : i32
    %broadcast_in_dim3A = arith.constant 0.000000e+00 : f32
    %broadcast_in_dim3A_61 = vector.broadcast %broadcast_in_dim3A : f32 to vector<16xf32>
    %broadcast_in_dim3A_62 = arith.constant 0.000000e+00 : f32
    %broadcast_in_dim3A_63 = vector.broadcast %broadcast_in_dim3A_62 : f32 to vector<16xf32>
    %scan3A_64 = arith.constant 0 : i32
    %scan3A_65 = arith.constant 40 : i32
    %scan3A_66 = arith.addi %scan3A_64, %scan3A_65 : i32
    %scan3A_67 = arith.constant 1 : i32
    %scan3A_68:2 = scf.for %scan3A_141 = %scan3A_64 to %scan3A_66 step %scan3A_67 iter_args(%scan3A_142 = %broadcast_in_dim3A_61, %scan3A_143 = %broadcast_in_dim3A_63) -> (vector<16xf32>, vector<16xf32>)  : i32 {
      %mul3A_144 = arith.constant 16 : i32
      %mul3A_145 = arith.muli %scan3A_141, %mul3A_144 : i32
      %get3A = arith.index_cast %mul3A_145 : i32 to index
      %get3A_146 = tpu.vector_load %arg29[%get3A] {strides = array<i32>} : memref<640xi32, #tpu.memory_space<vmem>>, vector<16xi32>,
      %ge3A = arith.constant 0 : i32
      %ge3A_147 = vector.broadcast %ge3A : i32 to vector<16xi32>
      %ge3A_148 = arith.cmpi sge, %get3A_146, %ge3A_147 : vector<16xi32>
      %get3A_149 = arith.index_cast %mul3A_145 : i32 to index
      %get3A_150 = tpu.vector_load %arg29[%get3A_149] {strides = array<i32>} : memref<640xi32, #tpu.memory_space<vmem>>, vector<16xi32>,
      %get3A_151 = arith.index_cast %mul3A_145 : i32 to index
      %get3A_152 = tpu.vector_load %arg31[%get3A_151] {strides = array<i32>} : memref<640xi32, #tpu.memory_space<vmem>>, vector<16xi32>,
      %select_n3A_153 = arith.select %ge3A_148, %get3A_150, %get3A_152 : vector<16xi1>, vector<16xi32>
      %ge3A_154 = arith.constant 0 : i32
      %ge3A_155 = vector.broadcast %ge3A_154 : i32 to vector<16xi32>
      %ge3A_156 = arith.cmpi sge, %select_n3A_153, %ge3A_155 : vector<16xi32>
      %mul3A_157 = arith.constant 16 : i32
      %mul3A_158 = arith.muli %scan3A_141, %mul3A_157 : i32
      %add3A_159 = arith.addi %mul3A_32, %mul3A_158 : i32
      %add3A_160 = vector.broadcast %add3A_159 : i32 to vector<16xi32>
      %add3A_161 = arith.addi %add3A_160, %iota3A : vector<16xi32>
      %lt3A_162 = arith.constant 5000 : i32
      %lt3A_163 = vector.broadcast %lt3A_162 : i32 to vector<16xi32>
      %lt3A_164 = arith.cmpi slt, %add3A_161, %lt3A_163 : vector<16xi32>
      %jit3A_165 = arith.constant 0 : i32
      %jit3A_166 = arith.constant 49 : i32
      %max3A = vector.broadcast %jit3A_165 : i32 to vector<16xi32>
      %max3A_167 = arith.maxsi %max3A, %select_n3A_153 : vector<16xi32>
      %min3A_168 = vector.broadcast %jit3A_166 : i32 to vector<16xi32>
      %min3A_169 = arith.minsi %min3A_168, %max3A_167 : vector<16xi32>
      %gather3A = tpu.vector_load_idx %arg26[%min3A_169] : memref<64xi32, #tpu.memory_space<vmem>>[vector<16xi32>], vector<16xi32>,
      %and3A_170 = arith.andi %ge3A_156, %lt3A_164 : vector<16xi1>
      %jit3A_171 = arith.constant 0 : i32
      %broadcast_in_dim3A_172 = vector.broadcast %jit3A_171 : i32 to vector<16xi32>
      %select_n3A_173 = arith.select %and3A_170, %gather3A, %broadcast_in_dim3A_172 : vector<16xi1>, vector<16xi32>
      %mul3A_174 = arith.constant 5000 : i32
      %mul3A_175 = arith.muli %select_n3A, %mul3A_174 : i32
      %add3A_176 = vector.broadcast %mul3A_175 : i32 to vector<16xi32>
      %add3A_177 = arith.addi %add3A_176, %add3A_161 : vector<16xi32>
      %mul3A_178 = arith.constant 81 : i32
      %mul3A_179 = vector.broadcast %mul3A_178 : i32 to vector<16xi32>
      %mul3A_180 = arith.muli %add3A_177, %mul3A_179 : vector<16xi32>
      %add3A_181 = arith.addi %mul3A_180, %select_n3A_173 : vector<16xi32>
      %jit3A_182 = arith.constant 0 : i32
      %broadcast_in_dim3A_183 = vector.broadcast %jit3A_182 : i32 to vector<16xi32>
      %select_n3A_184 = arith.select %lt3A_164, %add3A_181, %broadcast_in_dim3A_183 : vector<16xi1>, vector<16xi32>
      %swap3A_185 = arith.index_cast %mul3A_145 : i32 to index
      %swap3A_186 = tpu.vector_load %arg32[%swap3A_185] {strides = array<i32>} : memref<640xi32, #tpu.memory_space<vmem>>, vector<16xi32>,
      tpu.vector_store %arg32[%swap3A_185], %select_n3A_184 {strides = array<i32>} : memref<640xi32, #tpu.memory_space<vmem>>, vector<16xi32>,
      %gather3A_187 = tpu.vector_load_idx %arg25[%min3A_169] : memref<256xf32, #tpu.memory_space<vmem>>[vector<16xi32>], vector<16xf32>,
      %add3A_188 = arith.constant 64 : i32
      %add3A_189 = vector.broadcast %add3A_188 : i32 to vector<16xi32>
      %add3A_190 = arith.addi %min3A_169, %add3A_189 : vector<16xi32>
      %gather3A_191 = tpu.vector_load_idx %arg25[%add3A_190] : memref<256xf32, #tpu.memory_space<vmem>>[vector<16xi32>], vector<16xf32>,
      %add3A_192 = arith.constant 128 : i32
      %add3A_193 = vector.broadcast %add3A_192 : i32 to vector<16xi32>
      %add3A_194 = arith.addi %min3A_169, %add3A_193 : vector<16xi32>
      %gather3A_195 = tpu.vector_load_idx %arg25[%add3A_194] : memref<256xf32, #tpu.memory_space<vmem>>[vector<16xi32>], vector<16xf32>,
      %add3A_196 = arith.constant 192 : i32
      %add3A_197 = vector.broadcast %add3A_196 : i32 to vector<16xi32>
      %add3A_198 = arith.addi %min3A_169, %add3A_197 : vector<16xi32>
      %gather3A_199 = tpu.vector_load_idx %arg25[%add3A_198] : memref<256xf32, #tpu.memory_space<vmem>>[vector<16xi32>], vector<16xf32>,
      %mul3A_200 = arith.constant 5.000000e-01 : f32
      %mul3A_201 = vector.broadcast %mul3A_200 : f32 to vector<16xf32>
      %mul3A_202 = arith.mulf %gather3A_195, %mul3A_201 : vector<16xf32>
      %add3A_203 = arith.addf %gather3A_187, %mul3A_202 : vector<16xf32>
      %mul3A_204 = arith.constant 5.000000e-01 : f32
      %mul3A_205 = vector.broadcast %mul3A_204 : f32 to vector<16xf32>
      %mul3A_206 = arith.mulf %gather3A_199, %mul3A_205 : vector<16xf32>
      %add3A_207 = arith.addf %gather3A_191, %mul3A_206 : vector<16xf32>
      %get3A_208 = arith.index_cast %mul3A_145 : i32 to index
      %get3A_209 = tpu.vector_load %arg17[%get3A_208] {strides = array<i32>} : memref<640xf32, #tpu.memory_space<vmem>>, vector<16xf32>,
      %get3A_210 = arith.index_cast %mul3A_145 : i32 to index
      %get3A_211 = tpu.vector_load %arg18[%get3A_210] {strides = array<i32>} : memref<640xf32, #tpu.memory_space<vmem>>, vector<16xf32>,
      %get3A_212 = arith.index_cast %mul3A_145 : i32 to index
      %get3A_213 = tpu.vector_load %arg19[%get3A_212] {strides = array<i32>} : memref<640xf32, #tpu.memory_space<vmem>>, vector<16xf32>,
      %get3A_214 = arith.index_cast %mul3A_145 : i32 to index
      %get3A_215 = tpu.vector_load %arg20[%get3A_214] {strides = array<i32>} : memref<640xf32, #tpu.memory_space<vmem>>, vector<16xf32>,
      %sub3A_216 = arith.subf %get3A_213, %get3A_209 : vector<16xf32>
      %sub3A_217 = arith.subf %get3A_215, %get3A_211 : vector<16xf32>
      %add3A_218 = arith.addf %get3A_209, %get3A_213 : vector<16xf32>
      %mul3A_219 = arith.constant 5.000000e-01 : f32
      %mul3A_220 = vector.broadcast %mul3A_219 : f32 to vector<16xf32>
      %mul3A_221 = arith.mulf %add3A_218, %mul3A_220 : vector<16xf32>
      %sub3A_222 = arith.subf %add3A_203, %mul3A_221 : vector<16xf32>
      %div3A_223 = arith.divf %sub3A_222, %sub3A_216 : vector<16xf32>
      %add3A_224 = arith.addf %get3A_211, %get3A_215 : vector<16xf32>
      %mul3A_225 = arith.constant 5.000000e-01 : f32
      %mul3A_226 = vector.broadcast %mul3A_225 : f32 to vector<16xf32>
      %mul3A_227 = arith.mulf %add3A_224, %mul3A_226 : vector<16xf32>
      %sub3A_228 = arith.subf %add3A_207, %mul3A_227 : vector<16xf32>
      %div3A_229 = arith.divf %sub3A_228, %sub3A_217 : vector<16xf32>
      %div3A_230 = arith.divf %gather3A_195, %sub3A_216 : vector<16xf32>
      %bitcast3A = vector.bitcast %div3A_230 : vector<16xf32> to vector<16xi32>
      %shift_right_arithmetic3A = arith.constant 23 : i32
      %shift_right_arithmetic3A_231 = vector.broadcast %shift_right_arithmetic3A : i32 to vector<16xi32>
      %shift_right_arithmetic3A_232 = arith.shrsi %bitcast3A, %shift_right_arithmetic3A_231 : vector<16xi32>
      %and3A_233 = arith.constant 255 : i32
      %and3A_234 = vector.broadcast %and3A_233 : i32 to vector<16xi32>
      %and3A_235 = arith.andi %shift_right_arithmetic3A_232, %and3A_234 : vector<16xi32>
      %sub3A_236 = arith.constant 127 : i32
      %sub3A_237 = vector.broadcast %sub3A_236 : i32 to vector<16xi32>
      %sub3A_238 = arith.subi %and3A_235, %sub3A_237 : vector<16xi32>
      %and3A_239 = arith.constant 8388607 : i32
      %and3A_240 = vector.broadcast %and3A_239 : i32 to vector<16xi32>
      %and3A_241 = arith.andi %bitcast3A, %and3A_240 : vector<16xi32>
      %or3A = arith.constant 1065353216 : i32
      %or3A_242 = vector.broadcast %or3A : i32 to vector<16xi32>
      %or3A_243 = arith.ori %and3A_241, %or3A_242 : vector<16xi32>
      %bitcast3A_244 = vector.bitcast %or3A_243 : vector<16xi32> to vector<16xf32>
      %gt3A = arith.constant 1.41421354 : f32
      %gt3A_245 = vector.broadcast %gt3A : f32 to vector<16xf32>
      %gt3A_246 = arith.cmpf ogt, %bitcast3A_244, %gt3A_245 : vector<16xf32>
      %mul3A_247 = arith.constant 5.000000e-01 : f32
      %mul3A_248 = vector.broadcast %mul3A_247 : f32 to vector<16xf32>
      %mul3A_249 = arith.mulf %bitcast3A_244, %mul3A_248 : vector<16xf32>
      %select_n3A_250 = arith.select %gt3A_246, %mul3A_249, %bitcast3A_244 : vector<16xi1>, vector<16xf32>
      %jit3A_251 = arith.constant 1 : i32
      %jit3A_252 = arith.constant 0 : i32
      %broadcast_in_dim3A_253 = vector.broadcast %jit3A_251 : i32 to vector<16xi32>
      %broadcast_in_dim3A_254 = vector.broadcast %jit3A_252 : i32 to vector<16xi32>
      %select_n3A_255 = arith.select %gt3A_246, %broadcast_in_dim3A_253, %broadcast_in_dim3A_254 : vector<16xi1>, vector<16xi32>
      %add3A_256 = arith.addi %sub3A_238, %select_n3A_255 : vector<16xi32>
      %sub3A_257 = arith.constant 1.000000e+00 : f32
      %sub3A_258 = vector.broadcast %sub3A_257 : f32 to vector<16xf32>
      %sub3A_259 = arith.subf %select_n3A_250, %sub3A_258 : vector<16xf32>
      %add3A_260 = arith.constant 1.000000e+00 : f32
      %add3A_261 = vector.broadcast %add3A_260 : f32 to vector<16xf32>
      %add3A_262 = arith.addf %select_n3A_250, %add3A_261 : vector<16xf32>
      %div3A_263 = arith.divf %sub3A_259, %add3A_262 : vector<16xf32>
      %mul3A_264 = arith.mulf %div3A_263, %div3A_263 : vector<16xf32>
      %mul3A_265 = arith.constant 2.000000e+00 : f32
      %mul3A_266 = vector.broadcast %mul3A_265 : f32 to vector<16xf32>
      %mul3A_267 = arith.mulf %mul3A_266, %div3A_263 : vector<16xf32>
      %mul3A_268 = arith.constant 0.111111112 : f32
      %mul3A_269 = vector.broadcast %mul3A_268 : f32 to vector<16xf32>
      %mul3A_270 = arith.mulf %mul3A_264, %mul3A_269 : vector<16xf32>
      %add3A_271 = arith.constant 0.142857149 : f32
      %add3A_272 = vector.broadcast %add3A_271 : f32 to vector<16xf32>
      %add3A_273 = arith.addf %add3A_272, %mul3A_270 : vector<16xf32>
      %mul3A_274 = arith.mulf %mul3A_264, %add3A_273 : vector<16xf32>
      %add3A_275 = arith.constant 2.000000e-01 : f32
      %add3A_276 = vector.broadcast %add3A_275 : f32 to vector<16xf32>
      %add3A_277 = arith.addf %add3A_276, %mul3A_274 : vector<16xf32>
      %mul3A_278 = arith.mulf %mul3A_264, %add3A_277 : vector<16xf32>
      %add3A_279 = arith.constant 0.333333343 : f32
      %add3A_280 = vector.broadcast %add3A_279 : f32 to vector<16xf32>
      %add3A_281 = arith.addf %add3A_280, %mul3A_278 : vector<16xf32>
      %mul3A_282 = arith.mulf %mul3A_264, %add3A_281 : vector<16xf32>
      %add3A_283 = arith.constant 1.000000e+00 : f32
      %add3A_284 = vector.broadcast %add3A_283 : f32 to vector<16xf32>
      %add3A_285 = arith.addf %add3A_284, %mul3A_282 : vector<16xf32>
      %mul3A_286 = arith.mulf %mul3A_267, %add3A_285 : vector<16xf32>
      %convert_element_type3A = arith.sitofp %add3A_256 : vector<16xi32> to vector<16xf32>
      %mul3A_287 = arith.constant 0.693147182 : f32
      %mul3A_288 = vector.broadcast %mul3A_287 : f32 to vector<16xf32>
      %mul3A_289 = arith.mulf %convert_element_type3A, %mul3A_288 : vector<16xf32>
      %add3A_290 = arith.addf %mul3A_289, %mul3A_286 : vector<16xf32>
      %div3A_291 = arith.divf %gather3A_199, %sub3A_217 : vector<16xf32>
      %bitcast3A_292 = vector.bitcast %div3A_291 : vector<16xf32> to vector<16xi32>
      %shift_right_arithmetic3A_293 = arith.constant 23 : i32
      %shift_right_arithmetic3A_294 = vector.broadcast %shift_right_arithmetic3A_293 : i32 to vector<16xi32>
      %shift_right_arithmetic3A_295 = arith.shrsi %bitcast3A_292, %shift_right_arithmetic3A_294 : vector<16xi32>
      %and3A_296 = arith.constant 255 : i32
      %and3A_297 = vector.broadcast %and3A_296 : i32 to vector<16xi32>
      %and3A_298 = arith.andi %shift_right_arithmetic3A_295, %and3A_297 : vector<16xi32>
      %sub3A_299 = arith.constant 127 : i32
      %sub3A_300 = vector.broadcast %sub3A_299 : i32 to vector<16xi32>
      %sub3A_301 = arith.subi %and3A_298, %sub3A_300 : vector<16xi32>
      %and3A_302 = arith.constant 8388607 : i32
      %and3A_303 = vector.broadcast %and3A_302 : i32 to vector<16xi32>
      %and3A_304 = arith.andi %bitcast3A_292, %and3A_303 : vector<16xi32>
      %or3A_305 = arith.constant 1065353216 : i32
      %or3A_306 = vector.broadcast %or3A_305 : i32 to vector<16xi32>
      %or3A_307 = arith.ori %and3A_304, %or3A_306 : vector<16xi32>
      %bitcast3A_308 = vector.bitcast %or3A_307 : vector<16xi32> to vector<16xf32>
      %gt3A_309 = arith.constant 1.41421354 : f32
      %gt3A_310 = vector.broadcast %gt3A_309 : f32 to vector<16xf32>
      %gt3A_311 = arith.cmpf ogt, %bitcast3A_308, %gt3A_310 : vector<16xf32>
      %mul3A_312 = arith.constant 5.000000e-01 : f32
      %mul3A_313 = vector.broadcast %mul3A_312 : f32 to vector<16xf32>
      %mul3A_314 = arith.mulf %bitcast3A_308, %mul3A_313 : vector<16xf32>
      %select_n3A_315 = arith.select %gt3A_311, %mul3A_314, %bitcast3A_308 : vector<16xi1>, vector<16xf32>
      %jit3A_316 = arith.constant 1 : i32
      %jit3A_317 = arith.constant 0 : i32
      %broadcast_in_dim3A_318 = vector.broadcast %jit3A_316 : i32 to vector<16xi32>
      %broadcast_in_dim3A_319 = vector.broadcast %jit3A_317 : i32 to vector<16xi32>
      %select_n3A_320 = arith.select %gt3A_311, %broadcast_in_dim3A_318, %broadcast_in_dim3A_319 : vector<16xi1>, vector<16xi32>
      %add3A_321 = arith.addi %sub3A_301, %select_n3A_320 : vector<16xi32>
      %sub3A_322 = arith.constant 1.000000e+00 : f32
      %sub3A_323 = vector.broadcast %sub3A_322 : f32 to vector<16xf32>
      %sub3A_324 = arith.subf %select_n3A_315, %sub3A_323 : vector<16xf32>
      %add3A_325 = arith.constant 1.000000e+00 : f32
      %add3A_326 = vector.broadcast %add3A_325 : f32 to vector<16xf32>
      %add3A_327 = arith.addf %select_n3A_315, %add3A_326 : vector<16xf32>
      %div3A_328 = arith.divf %sub3A_324, %add3A_327 : vector<16xf32>
      %mul3A_329 = arith.mulf %div3A_328, %div3A_328 : vector<16xf32>
      %mul3A_330 = arith.constant 2.000000e+00 : f32
      %mul3A_331 = vector.broadcast %mul3A_330 : f32 to vector<16xf32>
      %mul3A_332 = arith.mulf %mul3A_331, %div3A_328 : vector<16xf32>
      %mul3A_333 = arith.constant 0.111111112 : f32
      %mul3A_334 = vector.broadcast %mul3A_333 : f32 to vector<16xf32>
      %mul3A_335 = arith.mulf %mul3A_329, %mul3A_334 : vector<16xf32>
      %add3A_336 = arith.constant 0.142857149 : f32
      %add3A_337 = vector.broadcast %add3A_336 : f32 to vector<16xf32>
      %add3A_338 = arith.addf %add3A_337, %mul3A_335 : vector<16xf32>
      %mul3A_339 = arith.mulf %mul3A_329, %add3A_338 : vector<16xf32>
      %add3A_340 = arith.constant 2.000000e-01 : f32
      %add3A_341 = vector.broadcast %add3A_340 : f32 to vector<16xf32>
      %add3A_342 = arith.addf %add3A_341, %mul3A_339 : vector<16xf32>
      %mul3A_343 = arith.mulf %mul3A_329, %add3A_342 : vector<16xf32>
      %add3A_344 = arith.constant 0.333333343 : f32
      %add3A_345 = vector.broadcast %add3A_344 : f32 to vector<16xf32>
      %add3A_346 = arith.addf %add3A_345, %mul3A_343 : vector<16xf32>
      %mul3A_347 = arith.mulf %mul3A_329, %add3A_346 : vector<16xf32>
      %add3A_348 = arith.constant 1.000000e+00 : f32
      %add3A_349 = vector.broadcast %add3A_348 : f32 to vector<16xf32>
      %add3A_350 = arith.addf %add3A_349, %mul3A_347 : vector<16xf32>
      %mul3A_351 = arith.mulf %mul3A_332, %add3A_350 : vector<16xf32>
      %convert_element_type3A_352 = arith.sitofp %add3A_321 : vector<16xi32> to vector<16xf32>
      %mul3A_353 = arith.constant 0.693147182 : f32
      %mul3A_354 = vector.broadcast %mul3A_353 : f32 to vector<16xf32>
      %mul3A_355 = arith.mulf %convert_element_type3A_352, %mul3A_354 : vector<16xf32>
      %add3A_356 = arith.addf %mul3A_355, %mul3A_351 : vector<16xf32>
      %ne3A_357 = arith.constant 0 : i32
      %ne3A_358 = vector.broadcast %ne3A_357 : i32 to vector<16xi32>
      %ne3A_359 = arith.cmpi ne, %select_n3A_173, %ne3A_358 : vector<16xi32>
      %get3A_360 = arith.index_cast %mul3A_145 : i32 to index
      %get3A_361 = tpu.vector_load %arg21[%get3A_360] {strides = array<i32>} : memref<640xf32, #tpu.memory_space<vmem>>, vector<16xf32>,
      %get3A_362 = arith.index_cast %mul3A_145 : i32 to index
      %get3A_363 = tpu.vector_load %arg22[%get3A_362] {strides = array<i32>} : memref<640xf32, #tpu.memory_space<vmem>>, vector<16xf32>,
      %get3A_364 = arith.index_cast %mul3A_145 : i32 to index
      %get3A_365 = tpu.vector_load %arg23[%get3A_364] {strides = array<i32>} : memref<640xf32, #tpu.memory_space<vmem>>, vector<16xf32>,
      %get3A_366 = arith.index_cast %mul3A_145 : i32 to index
      %get3A_367 = tpu.vector_load %arg24[%get3A_366] {strides = array<i32>} : memref<640xf32, #tpu.memory_space<vmem>>, vector<16xf32>,
      %sub3A_368 = arith.subf %get3A_361, %div3A_223 : vector<16xf32>
      %abs3A = math.absf %sub3A_368 : vector<16xf32>
      %lt3A_369 = arith.constant 1.000000e+00 : f32
      %lt3A_370 = vector.broadcast %lt3A_369 : f32 to vector<16xf32>
      %lt3A_371 = arith.cmpf olt, %abs3A, %lt3A_370 : vector<16xf32>
      %mul3A_372 = arith.constant 5.000000e-01 : f32
      %mul3A_373 = vector.broadcast %mul3A_372 : f32 to vector<16xf32>
      %mul3A_374 = arith.mulf %mul3A_373, %sub3A_368 : vector<16xf32>
      %mul3A_375 = arith.mulf %mul3A_374, %sub3A_368 : vector<16xf32>
      %sub3A_376 = arith.constant 5.000000e-01 : f32
      %sub3A_377 = vector.broadcast %sub3A_376 : f32 to vector<16xf32>
      %sub3A_378 = arith.subf %abs3A, %sub3A_377 : vector<16xf32>
      %select_n3A_379 = arith.select %lt3A_371, %mul3A_375, %sub3A_378 : vector<16xi1>, vector<16xf32>
      %jit3A_380 = arith.constant 0.000000e+00 : f32
      %broadcast_in_dim3A_381 = vector.broadcast %jit3A_380 : f32 to vector<16xf32>
      %select_n3A_382 = arith.select %ne3A_359, %select_n3A_379, %broadcast_in_dim3A_381 : vector<16xi1>, vector<16xf32>
      %add3A_383 = arith.addf %scan3A_142, %select_n3A_382 : vector<16xf32>
      %sub3A_384 = arith.subf %get3A_363, %div3A_229 : vector<16xf32>
      %abs3A_385 = math.absf %sub3A_384 : vector<16xf32>
      %lt3A_386 = arith.constant 1.000000e+00 : f32
      %lt3A_387 = vector.broadcast %lt3A_386 : f32 to vector<16xf32>
      %lt3A_388 = arith.cmpf olt, %abs3A_385, %lt3A_387 : vector<16xf32>
      %mul3A_389 = arith.constant 5.000000e-01 : f32
      %mul3A_390 = vector.broadcast %mul3A_389 : f32 to vector<16xf32>
      %mul3A_391 = arith.mulf %mul3A_390, %sub3A_384 : vector<16xf32>
      %mul3A_392 = arith.mulf %mul3A_391, %sub3A_384 : vector<16xf32>
      %sub3A_393 = arith.constant 5.000000e-01 : f32
      %sub3A_394 = vector.broadcast %sub3A_393 : f32 to vector<16xf32>
      %sub3A_395 = arith.subf %abs3A_385, %sub3A_394 : vector<16xf32>
      %select_n3A_396 = arith.select %lt3A_388, %mul3A_392, %sub3A_395 : vector<16xi1>, vector<16xf32>
      %jit3A_397 = arith.constant 0.000000e+00 : f32
      %broadcast_in_dim3A_398 = vector.broadcast %jit3A_397 : f32 to vector<16xf32>
      %select_n3A_399 = arith.select %ne3A_359, %select_n3A_396, %broadcast_in_dim3A_398 : vector<16xi1>, vector<16xf32>
      %add3A_400 = arith.addf %add3A_383, %select_n3A_399 : vector<16xf32>
      %sub3A_401 = arith.subf %get3A_365, %add3A_290 : vector<16xf32>
      %abs3A_402 = math.absf %sub3A_401 : vector<16xf32>
      %lt3A_403 = arith.constant 1.000000e+00 : f32
      %lt3A_404 = vector.broadcast %lt3A_403 : f32 to vector<16xf32>
      %lt3A_405 = arith.cmpf olt, %abs3A_402, %lt3A_404 : vector<16xf32>
      %mul3A_406 = arith.constant 5.000000e-01 : f32
      %mul3A_407 = vector.broadcast %mul3A_406 : f32 to vector<16xf32>
      %mul3A_408 = arith.mulf %mul3A_407, %sub3A_401 : vector<16xf32>
      %mul3A_409 = arith.mulf %mul3A_408, %sub3A_401 : vector<16xf32>
      %sub3A_410 = arith.constant 5.000000e-01 : f32
      %sub3A_411 = vector.broadcast %sub3A_410 : f32 to vector<16xf32>
      %sub3A_412 = arith.subf %abs3A_402, %sub3A_411 : vector<16xf32>
      %select_n3A_413 = arith.select %lt3A_405, %mul3A_409, %sub3A_412 : vector<16xi1>, vector<16xf32>
      %jit3A_414 = arith.constant 0.000000e+00 : f32
      %broadcast_in_dim3A_415 = vector.broadcast %jit3A_414 : f32 to vector<16xf32>
      %select_n3A_416 = arith.select %ne3A_359, %select_n3A_413, %broadcast_in_dim3A_415 : vector<16xi1>, vector<16xf32>
      %add3A_417 = arith.addf %add3A_400, %select_n3A_416 : vector<16xf32>
      %sub3A_418 = arith.subf %get3A_367, %add3A_356 : vector<16xf32>
      %abs3A_419 = math.absf %sub3A_418 : vector<16xf32>
      %lt3A_420 = arith.constant 1.000000e+00 : f32
      %lt3A_421 = vector.broadcast %lt3A_420 : f32 to vector<16xf32>
      %lt3A_422 = arith.cmpf olt, %abs3A_419, %lt3A_421 : vector<16xf32>
      %mul3A_423 = arith.constant 5.000000e-01 : f32
      %mul3A_424 = vector.broadcast %mul3A_423 : f32 to vector<16xf32>
      %mul3A_425 = arith.mulf %mul3A_424, %sub3A_418 : vector<16xf32>
      %mul3A_426 = arith.mulf %mul3A_425, %sub3A_418 : vector<16xf32>
      %sub3A_427 = arith.constant 5.000000e-01 : f32
      %sub3A_428 = vector.broadcast %sub3A_427 : f32 to vector<16xf32>
      %sub3A_429 = arith.subf %abs3A_419, %sub3A_428 : vector<16xf32>
      %select_n3A_430 = arith.select %lt3A_422, %mul3A_426, %sub3A_429 : vector<16xi1>, vector<16xf32>
      %jit3A_431 = arith.constant 0.000000e+00 : f32
      %broadcast_in_dim3A_432 = vector.broadcast %jit3A_431 : f32 to vector<16xf32>
      %select_n3A_433 = arith.select %ne3A_359, %select_n3A_430, %broadcast_in_dim3A_432 : vector<16xi1>, vector<16xf32>
      %add3A_434 = arith.addf %add3A_417, %select_n3A_433 : vector<16xf32>
      %jit3A_435 = arith.constant 1.000000e+00 : f32
      %jit3A_436 = arith.constant 0.000000e+00 : f32
      %broadcast_in_dim3A_437 = vector.broadcast %jit3A_435 : f32 to vector<16xf32>
      %broadcast_in_dim3A_438 = vector.broadcast %jit3A_436 : f32 to vector<16xf32>
      %select_n3A_439 = arith.select %ne3A_359, %broadcast_in_dim3A_437, %broadcast_in_dim3A_438 : vector<16xi1>, vector<16xf32>
      %add3A_440 = arith.addf %scan3A_143, %select_n3A_439 : vector<16xf32>
      scf.yield %add3A_434, %add3A_440 : vector<16xf32>, vector<16xf32>
    }
    %scan3A_69 = arith.constant 40 : i32
    %dma_start3A = arith.constant 0 : i32
    %dma_start3A_70 = tpu.memref_slice %arg33[%dma_start3A] : memref<640xf32, #tpu.memory_space<vmem>> -> memref<128xf32, #tpu.memory_space<vmem>>
    %dma_start3A_71 = arith.constant 0 : i32
    %dma_start3A_72 = tpu.memref_slice %arg32[%dma_start3A_71] : memref<640xi32, #tpu.memory_space<vmem>> -> memref<128xi32, #tpu.memory_space<vmem>>
    %dma_start3A_73 = arith.constant 0 : i32
    %dma_start3A_74 = tpu.memref_slice %arg12[%dma_start3A_73] : memref<1620000xf32, #tpu.memory_space<hbm>> -> memref<1620000xf32, #tpu.memory_space<hbm>>
    tpu.enqueue_indirect_dma source(%dma_start3A_74 : memref<1620000xf32, #tpu.memory_space<hbm>>) target(%dma_start3A_70 : memref<128xf32, #tpu.memory_space<vmem>>) offsets(%dma_start3A_72 : memref<128xi32, #tpu.memory_space<vmem>>) semaphore(%arg35 : memref<!tpu.dma_semaphore, #tpu.memory_space<semaphore_mem>>)
    %dma_start3A_75 = arith.constant 128 : i32
    %dma_start3A_76 = tpu.memref_slice %arg33[%dma_start3A_75] : memref<640xf32, #tpu.memory_space<vmem>> -> memref<128xf32, #tpu.memory_space<vmem>>
    %dma_start3A_77 = arith.constant 128 : i32
    %dma_start3A_78 = tpu.memref_slice %arg32[%dma_start3A_77] : memref<640xi32, #tpu.memory_space<vmem>> -> memref<128xi32, #tpu.memory_space<vmem>>
    %dma_start3A_79 = arith.constant 0 : i32
    %dma_start3A_80 = tpu.memref_slice %arg12[%dma_start3A_79] : memref<1620000xf32, #tpu.memory_space<hbm>> -> memref<1620000xf32, #tpu.memory_space<hbm>>
    tpu.enqueue_indirect_dma source(%dma_start3A_80 : memref<1620000xf32, #tpu.memory_space<hbm>>) target(%dma_start3A_76 : memref<128xf32, #tpu.memory_space<vmem>>) offsets(%dma_start3A_78 : memref<128xi32, #tpu.memory_space<vmem>>) semaphore(%arg35 : memref<!tpu.dma_semaphore, #tpu.memory_space<semaphore_mem>>)
    %dma_start3A_81 = arith.constant 256 : i32
    %dma_start3A_82 = tpu.memref_slice %arg33[%dma_start3A_81] : memref<640xf32, #tpu.memory_space<vmem>> -> memref<128xf32, #tpu.memory_space<vmem>>
    %dma_start3A_83 = arith.constant 256 : i32
    %dma_start3A_84 = tpu.memref_slice %arg32[%dma_start3A_83] : memref<640xi32, #tpu.memory_space<vmem>> -> memref<128xi32, #tpu.memory_space<vmem>>
    %dma_start3A_85 = arith.constant 0 : i32
    %dma_start3A_86 = tpu.memref_slice %arg12[%dma_start3A_85] : memref<1620000xf32, #tpu.memory_space<hbm>> -> memref<1620000xf32, #tpu.memory_space<hbm>>
    tpu.enqueue_indirect_dma source(%dma_start3A_86 : memref<1620000xf32, #tpu.memory_space<hbm>>) target(%dma_start3A_82 : memref<128xf32, #tpu.memory_space<vmem>>) offsets(%dma_start3A_84 : memref<128xi32, #tpu.memory_space<vmem>>) semaphore(%arg35 : memref<!tpu.dma_semaphore, #tpu.memory_space<semaphore_mem>>)
    %dma_start3A_87 = arith.constant 384 : i32
    %dma_start3A_88 = tpu.memref_slice %arg33[%dma_start3A_87] : memref<640xf32, #tpu.memory_space<vmem>> -> memref<128xf32, #tpu.memory_space<vmem>>
    %dma_start3A_89 = arith.constant 384 : i32
    %dma_start3A_90 = tpu.memref_slice %arg32[%dma_start3A_89] : memref<640xi32, #tpu.memory_space<vmem>> -> memref<128xi32, #tpu.memory_space<vmem>>
    %dma_start3A_91 = arith.constant 0 : i32
    %dma_start3A_92 = tpu.memref_slice %arg12[%dma_start3A_91] : memref<1620000xf32, #tpu.memory_space<hbm>> -> memref<1620000xf32, #tpu.memory_space<hbm>>
    tpu.enqueue_indirect_dma source(%dma_start3A_92 : memref<1620000xf32, #tpu.memory_space<hbm>>) target(%dma_start3A_88 : memref<128xf32, #tpu.memory_space<vmem>>) offsets(%dma_start3A_90 : memref<128xi32, #tpu.memory_space<vmem>>) semaphore(%arg35 : memref<!tpu.dma_semaphore, #tpu.memory_space<semaphore_mem>>)
    %dma_start3A_93 = arith.constant 512 : i32
    %dma_start3A_94 = tpu.memref_slice %arg33[%dma_start3A_93] : memref<640xf32, #tpu.memory_space<vmem>> -> memref<128xf32, #tpu.memory_space<vmem>>
    %dma_start3A_95 = arith.constant 512 : i32
    %dma_start3A_96 = tpu.memref_slice %arg32[%dma_start3A_95] : memref<640xi32, #tpu.memory_space<vmem>> -> memref<128xi32, #tpu.memory_space<vmem>>
    %dma_start3A_97 = arith.constant 0 : i32
    %dma_start3A_98 = tpu.memref_slice %arg12[%dma_start3A_97] : memref<1620000xf32, #tpu.memory_space<hbm>> -> memref<1620000xf32, #tpu.memory_space<hbm>>
    tpu.enqueue_indirect_dma source(%dma_start3A_98 : memref<1620000xf32, #tpu.memory_space<hbm>>) target(%dma_start3A_94 : memref<128xf32, #tpu.memory_space<vmem>>) offsets(%dma_start3A_96 : memref<128xi32, #tpu.memory_space<vmem>>) semaphore(%arg35 : memref<!tpu.dma_semaphore, #tpu.memory_space<semaphore_mem>>)
    %dma_wait3A = arith.constant 0 : i32
    %dma_wait3A_99 = tpu.memref_slice %arg33[%dma_wait3A] : memref<640xf32, #tpu.memory_space<vmem>> -> memref<128xf32, #tpu.memory_space<vmem>>
    %dma_wait3A_100 = arith.constant 0 : i32
    %dma_wait3A_101 = tpu.memref_slice %arg32[%dma_wait3A_100] : memref<640xi32, #tpu.memory_space<vmem>> -> memref<128xi32, #tpu.memory_space<vmem>>
    %dma_wait3A_102 = arith.constant 0 : i32
    %dma_wait3A_103 = tpu.memref_slice %arg12[%dma_wait3A_102] : memref<1620000xf32, #tpu.memory_space<hbm>> -> memref<1620000xf32, #tpu.memory_space<hbm>>
    tpu.wait_indirect_dma semaphore(%arg35 : memref<!tpu.dma_semaphore, #tpu.memory_space<semaphore_mem>>) src(%dma_wait3A_103 : memref<1620000xf32, #tpu.memory_space<hbm>>) dst(%dma_wait3A_99 : memref<128xf32, #tpu.memory_space<vmem>>)
    %dma_wait3A_104 = arith.constant 128 : i32
    %dma_wait3A_105 = tpu.memref_slice %arg33[%dma_wait3A_104] : memref<640xf32, #tpu.memory_space<vmem>> -> memref<128xf32, #tpu.memory_space<vmem>>
    %dma_wait3A_106 = arith.constant 128 : i32
    %dma_wait3A_107 = tpu.memref_slice %arg32[%dma_wait3A_106] : memref<640xi32, #tpu.memory_space<vmem>> -> memref<128xi32, #tpu.memory_space<vmem>>
    %dma_wait3A_108 = arith.constant 0 : i32
    %dma_wait3A_109 = tpu.memref_slice %arg12[%dma_wait3A_108] : memref<1620000xf32, #tpu.memory_space<hbm>> -> memref<1620000xf32, #tpu.memory_space<hbm>>
    tpu.wait_indirect_dma semaphore(%arg35 : memref<!tpu.dma_semaphore, #tpu.memory_space<semaphore_mem>>) src(%dma_wait3A_109 : memref<1620000xf32, #tpu.memory_space<hbm>>) dst(%dma_wait3A_105 : memref<128xf32, #tpu.memory_space<vmem>>)
    %dma_wait3A_110 = arith.constant 256 : i32
    %dma_wait3A_111 = tpu.memref_slice %arg33[%dma_wait3A_110] : memref<640xf32, #tpu.memory_space<vmem>> -> memref<128xf32, #tpu.memory_space<vmem>>
    %dma_wait3A_112 = arith.constant 256 : i32
    %dma_wait3A_113 = tpu.memref_slice %arg32[%dma_wait3A_112] : memref<640xi32, #tpu.memory_space<vmem>> -> memref<128xi32, #tpu.memory_space<vmem>>
    %dma_wait3A_114 = arith.constant 0 : i32
    %dma_wait3A_115 = tpu.memref_slice %arg12[%dma_wait3A_114] : memref<1620000xf32, #tpu.memory_space<hbm>> -> memref<1620000xf32, #tpu.memory_space<hbm>>
    tpu.wait_indirect_dma semaphore(%arg35 : memref<!tpu.dma_semaphore, #tpu.memory_space<semaphore_mem>>) src(%dma_wait3A_115 : memref<1620000xf32, #tpu.memory_space<hbm>>) dst(%dma_wait3A_111 : memref<128xf32, #tpu.memory_space<vmem>>)
    %dma_wait3A_116 = arith.constant 384 : i32
    %dma_wait3A_117 = tpu.memref_slice %arg33[%dma_wait3A_116] : memref<640xf32, #tpu.memory_space<vmem>> -> memref<128xf32, #tpu.memory_space<vmem>>
    %dma_wait3A_118 = arith.constant 384 : i32
    %dma_wait3A_119 = tpu.memref_slice %arg32[%dma_wait3A_118] : memref<640xi32, #tpu.memory_space<vmem>> -> memref<128xi32, #tpu.memory_space<vmem>>
    %dma_wait3A_120 = arith.constant 0 : i32
    %dma_wait3A_121 = tpu.memref_slice %arg12[%dma_wait3A_120] : memref<1620000xf32, #tpu.memory_space<hbm>> -> memref<1620000xf32, #tpu.memory_space<hbm>>
    tpu.wait_indirect_dma semaphore(%arg35 : memref<!tpu.dma_semaphore, #tpu.memory_space<semaphore_mem>>) src(%dma_wait3A_121 : memref<1620000xf32, #tpu.memory_space<hbm>>) dst(%dma_wait3A_117 : memref<128xf32, #tpu.memory_space<vmem>>)
    %dma_wait3A_122 = arith.constant 512 : i32
    %dma_wait3A_123 = tpu.memref_slice %arg33[%dma_wait3A_122] : memref<640xf32, #tpu.memory_space<vmem>> -> memref<128xf32, #tpu.memory_space<vmem>>
    %dma_wait3A_124 = arith.constant 512 : i32
    %dma_wait3A_125 = tpu.memref_slice %arg32[%dma_wait3A_124] : memref<640xi32, #tpu.memory_space<vmem>> -> memref<128xi32, #tpu.memory_space<vmem>>
    %dma_wait3A_126 = arith.constant 0 : i32
    %dma_wait3A_127 = tpu.memref_slice %arg12[%dma_wait3A_126] : memref<1620000xf32, #tpu.memory_space<hbm>> -> memref<1620000xf32, #tpu.memory_space<hbm>>
    tpu.wait_indirect_dma semaphore(%arg35 : memref<!tpu.dma_semaphore, #tpu.memory_space<semaphore_mem>>) src(%dma_wait3A_127 : memref<1620000xf32, #tpu.memory_space<hbm>>) dst(%dma_wait3A_123 : memref<128xf32, #tpu.memory_space<vmem>>)
    %broadcast_in_dim3A_128 = arith.constant 0.000000e+00 : f32
    %broadcast_in_dim3A_129 = vector.broadcast %broadcast_in_dim3A_128 : f32 to vector<16xf32>
    %scan3A_130 = arith.constant 0 : i32
    %scan3A_131 = arith.constant 40 : i32
    %scan3A_132 = arith.addi %scan3A_130, %scan3A_131 : i32
    %scan3A_133 = arith.constant 1 : i32
    %scan3A_134 = scf.for %scan3A_141 = %scan3A_130 to %scan3A_132 step %scan3A_133 iter_args(%scan3A_142 = %broadcast_in_dim3A_129) -> (vector<16xf32>)  : i32 {
      %mul3A_143 = arith.constant 16 : i32
      %mul3A_144 = arith.muli %scan3A_141, %mul3A_143 : i32
      %mul3A_145 = arith.constant 16 : i32
      %mul3A_146 = arith.muli %scan3A_141, %mul3A_145 : i32
      %add3A_147 = arith.addi %mul3A_32, %mul3A_146 : i32
      %add3A_148 = vector.broadcast %add3A_147 : i32 to vector<16xi32>
      %add3A_149 = arith.addi %add3A_148, %iota3A : vector<16xi32>
      %lt3A_150 = arith.constant 5000 : i32
      %lt3A_151 = vector.broadcast %lt3A_150 : i32 to vector<16xi32>
      %lt3A_152 = arith.cmpi slt, %add3A_149, %lt3A_151 : vector<16xi32>
      %get3A = arith.index_cast %mul3A_144 : i32 to index
      %get3A_153 = tpu.vector_load %arg33[%get3A] {strides = array<i32>} : memref<640xf32, #tpu.memory_space<vmem>>, vector<16xf32>,
      %jit3A_154 = arith.constant 0.000000e+00 : f32
      %broadcast_in_dim3A_155 = vector.broadcast %jit3A_154 : f32 to vector<16xf32>
      %select_n3A_156 = arith.select %lt3A_152, %get3A_153, %broadcast_in_dim3A_155 : vector<16xi1>, vector<16xf32>
      %add3A_157 = arith.addf %scan3A_142, %select_n3A_156 : vector<16xf32>
      scf.yield %add3A_157 : vector<16xf32>
    }
    %scan3A_135 = arith.constant 40 : i32
    %swap3A = arith.constant 0 : index
    %swap3A_136 = tpu.vector_load %arg34[%swap3A] {strides = array<i32>} : memref<48xf32, #tpu.memory_space<vmem>>, vector<16xf32>,
    tpu.vector_store %arg34[%swap3A], %scan3A_68#0 {strides = array<i32>} : memref<48xf32, #tpu.memory_space<vmem>>, vector<16xf32>,
    %swap3A_137 = arith.constant 16 : index
    %swap3A_138 = tpu.vector_load %arg34[%swap3A_137] {strides = array<i32>} : memref<48xf32, #tpu.memory_space<vmem>>, vector<16xf32>,
    tpu.vector_store %arg34[%swap3A_137], %scan3A_134 {strides = array<i32>} : memref<48xf32, #tpu.memory_space<vmem>>, vector<16xf32>,
    %swap3A_139 = arith.constant 32 : index
    %swap3A_140 = tpu.vector_load %arg34[%swap3A_139] {strides = array<i32>} : memref<48xf32, #tpu.memory_space<vmem>>, vector<16xf32>,
    tpu.vector_store %arg34[%swap3A_139], %scan3A_68#1 {strides = array<i32>} : memref<48xf32, #tpu.memory_space<vmem>>, vector<16xf32>,
    "tpu.region"() ({
      %run_scoped3A = tpu.sem_alloc : memref<!tpu.dma_semaphore, #tpu.memory_space<semaphore_mem>>
      %dma_start3A_141 = arith.constant 0 : i32
      %dma_start3A_142 = tpu.memref_slice %arg16[%add3A, %dma_start3A_141] : memref<32x48xf32, #tpu.memory_space<hbm>> -> memref<1x48xf32, #tpu.memory_space<hbm>>
      %dma_start3A_143 = tpu.memref_squeeze %dma_start3A_142 : memref<1x48xf32, #tpu.memory_space<hbm>> -> memref<48xf32, #tpu.memory_space<hbm>>
      %dma_start3A_144 = arith.constant 0 : i32
      %dma_start3A_145 = tpu.memref_slice %arg16[%add3A, %dma_start3A_144] : memref<32x48xf32, #tpu.memory_space<hbm>> -> memref<1x48xf32, #tpu.memory_space<hbm>>
      %dma_start3A_146 = tpu.memref_squeeze %dma_start3A_145 : memref<1x48xf32, #tpu.memory_space<hbm>> -> memref<48xf32, #tpu.memory_space<hbm>>
      tpu.enqueue_dma source(%arg34 : memref<48xf32, #tpu.memory_space<vmem>>) target(%dma_start3A_146 : memref<48xf32, #tpu.memory_space<hbm>>) target_semaphore(%run_scoped3A : memref<!tpu.dma_semaphore, #tpu.memory_space<semaphore_mem>>)
      %dma_wait3A_147 = arith.constant 0 : i32
      %dma_wait3A_148 = tpu.memref_slice %arg16[%add3A, %dma_wait3A_147] : memref<32x48xf32, #tpu.memory_space<hbm>> -> memref<1x48xf32, #tpu.memory_space<hbm>>
      %dma_wait3A_149 = tpu.memref_squeeze %dma_wait3A_148 : memref<1x48xf32, #tpu.memory_space<hbm>> -> memref<48xf32, #tpu.memory_space<hbm>>
      %dma_wait3A_150 = arith.constant 0 : i32
      %dma_wait3A_151 = tpu.memref_slice %arg16[%add3A, %dma_wait3A_150] : memref<32x48xf32, #tpu.memory_space<hbm>> -> memref<1x48xf32, #tpu.memory_space<hbm>>
      %dma_wait3A_152 = tpu.memref_squeeze %dma_wait3A_151 : memref<1x48xf32, #tpu.memory_space<hbm>> -> memref<48xf32, #tpu.memory_space<hbm>>
      tpu.wait_dma2 semaphore(%run_scoped3A : memref<!tpu.dma_semaphore, #tpu.memory_space<semaphore_mem>>) src(%arg34 : memref<48xf32, #tpu.memory_space<vmem>>) dst(%dma_wait3A_152 : memref<48xf32, #tpu.memory_space<hbm>>)
      tpu.yield
    }) : () -> ()
    return
  }
}

#map = affine_map<(d0, d1) -> (0, 0)>
#map1 = affine_map<(d0, d1) -> (0)>
module attributes {stable_mosaic.version = 14 : i64} {
  func.func @_sc1_body(%arg0: i32, %arg1: i32, %arg2: memref<4x5120xf32, #tpu.memory_space<hbm>>, %arg3: memref<4x5120xf32, #tpu.memory_space<hbm>>, %arg4: memref<4x5120xf32, #tpu.memory_space<hbm>>, %arg5: memref<4x5120xf32, #tpu.memory_space<hbm>>, %arg6: memref<4x256xf32, #tpu.memory_space<hbm>>, %arg7: memref<2048xf32, #tpu.memory_space<hbm>>, %arg8: memref<2048xi32, #tpu.memory_space<hbm>>, %arg9: memref<20480xi32, #tpu.memory_space<hbm>>, %arg10: memref<640xf32, #tpu.memory_space<vmem>>, %arg11: memref<640xf32, #tpu.memory_space<vmem>>, %arg12: memref<640xf32, #tpu.memory_space<vmem>>, %arg13: memref<640xf32, #tpu.memory_space<vmem>>, %arg14: memref<256xf32, #tpu.memory_space<vmem>>, %arg15: memref<640xf32, #tpu.memory_space<vmem>>, %arg16: memref<640xi32, #tpu.memory_space<vmem>>, %arg17: memref<64xf32, #tpu.memory_space<vmem>>, %arg18: memref<64xi32, #tpu.memory_space<vmem>>) attributes {dimension_semantics = [#tpu.dimension_semantics<core_parallel>, #tpu.dimension_semantics<subcore_parallel>], iteration_bounds = array<i64: 2, 16>, scalar_prefetch = 0 : i64, scratch_operands = 9 : i64, tpu.core_type = #tpu.core_type<sc_vector_subcore>, window_params = [{transform_indices = #map}, {transform_indices = #map}, {transform_indices = #map}, {transform_indices = #map}, {transform_indices = #map}, {transform_indices = #map1}, {transform_indices = #map1}, {transform_indices = #map1}]} {
    %mul3A = arith.constant 2 : i32
    %mul3A_0 = arith.muli %arg1, %mul3A : i32
    %add3A = arith.addi %mul3A_0, %arg0 : i32
    %jit3A = arith.constant 8 : i32
    %div3A = arith.divsi %add3A, %jit3A : i32
    %sign3A = arith.constant 0 : i32
    %sign3A_1 = arith.cmpi sgt, %add3A, %sign3A : i32
    %sign3A_2 = arith.extui %sign3A_1 : i1 to i32
    %sign3A_3 = arith.constant 0 : i32
    %sign3A_4 = arith.cmpi slt, %add3A, %sign3A_3 : i32
    %sign3A_5 = arith.extui %sign3A_4 : i1 to i32
    %sign3A_6 = arith.subi %sign3A_2, %sign3A_5 : i32
    %sign3A_7 = arith.constant 0 : i32
    %sign3A_8 = arith.cmpi sgt, %jit3A, %sign3A_7 : i32
    %sign3A_9 = arith.extui %sign3A_8 : i1 to i32
    %sign3A_10 = arith.constant 0 : i32
    %sign3A_11 = arith.cmpi slt, %jit3A, %sign3A_10 : i32
    %sign3A_12 = arith.extui %sign3A_11 : i1 to i32
    %sign3A_13 = arith.subi %sign3A_9, %sign3A_12 : i32
    %ne3A = arith.cmpi ne, %sign3A_6, %sign3A_13 : i32
    %rem3A = arith.remsi %add3A, %jit3A : i32
    %ne3A_14 = arith.constant 0 : i32
    %ne3A_15 = arith.cmpi ne, %rem3A, %ne3A_14 : i32
    %and3A = arith.andi %ne3A, %ne3A_15 : i1
    %sub3A = arith.constant 1 : i32
    %sub3A_16 = arith.subi %div3A, %sub3A : i32
    %select_n3A = arith.select %and3A, %sub3A_16, %div3A : i32
    %jit3A_17 = arith.constant 8 : i32
    %eq3A = arith.constant 0 : i32
    %eq3A_18 = arith.cmpi eq, %jit3A_17, %eq3A : i32
    %jit3A_19 = arith.constant 1 : i32
    %select_n3A_20 = arith.select %eq3A_18, %jit3A_19, %jit3A_17 : i32
    %rem3A_21 = arith.remsi %add3A, %select_n3A_20 : i32
    %ne3A_22 = arith.constant 0 : i32
    %ne3A_23 = arith.cmpi ne, %rem3A_21, %ne3A_22 : i32
    %lt3A = arith.constant 0 : i32
    %lt3A_24 = arith.cmpi slt, %rem3A_21, %lt3A : i32
    %lt3A_25 = arith.constant 0 : i32
    %lt3A_26 = arith.cmpi slt, %select_n3A_20, %lt3A_25 : i32
    %ne3A_27 = arith.xori %lt3A_24, %lt3A_26 : i1
    %and3A_28 = arith.andi %ne3A_27, %ne3A_23 : i1
    %add3A_29 = arith.addi %rem3A_21, %select_n3A_20 : i32
    %select_n3A_30 = arith.select %and3A_28, %add3A_29, %rem3A_21 : i32
    %mul3A_31 = arith.constant 640 : i32
    %mul3A_32 = arith.muli %select_n3A_30, %mul3A_31 : i32
    "tpu.region"() ({
      %run_scoped3A = tpu.sem_alloc : memref<!tpu.dma_semaphore, #tpu.memory_space<semaphore_mem>>
      %dma_start3A = tpu.memref_slice %arg2[%select_n3A, %mul3A_32] : memref<4x5120xf32, #tpu.memory_space<hbm>> -> memref<1x640xf32, #tpu.memory_space<hbm>>
      %dma_start3A_52 = tpu.memref_squeeze %dma_start3A : memref<1x640xf32, #tpu.memory_space<hbm>> -> memref<640xf32, #tpu.memory_space<hbm>>
      %dma_start3A_53 = tpu.memref_slice %arg2[%select_n3A, %mul3A_32] : memref<4x5120xf32, #tpu.memory_space<hbm>> -> memref<1x640xf32, #tpu.memory_space<hbm>>
      %dma_start3A_54 = tpu.memref_squeeze %dma_start3A_53 : memref<1x640xf32, #tpu.memory_space<hbm>> -> memref<640xf32, #tpu.memory_space<hbm>>
      tpu.enqueue_dma source(%dma_start3A_54 : memref<640xf32, #tpu.memory_space<hbm>>) target(%arg10 : memref<640xf32, #tpu.memory_space<vmem>>) target_semaphore(%run_scoped3A : memref<!tpu.dma_semaphore, #tpu.memory_space<semaphore_mem>>)
      %dma_wait3A = tpu.memref_slice %arg2[%select_n3A, %mul3A_32] : memref<4x5120xf32, #tpu.memory_space<hbm>> -> memref<1x640xf32, #tpu.memory_space<hbm>>
      %dma_wait3A_55 = tpu.memref_squeeze %dma_wait3A : memref<1x640xf32, #tpu.memory_space<hbm>> -> memref<640xf32, #tpu.memory_space<hbm>>
      %dma_wait3A_56 = tpu.memref_slice %arg2[%select_n3A, %mul3A_32] : memref<4x5120xf32, #tpu.memory_space<hbm>> -> memref<1x640xf32, #tpu.memory_space<hbm>>
      %dma_wait3A_57 = tpu.memref_squeeze %dma_wait3A_56 : memref<1x640xf32, #tpu.memory_space<hbm>> -> memref<640xf32, #tpu.memory_space<hbm>>
      tpu.wait_dma2 semaphore(%run_scoped3A : memref<!tpu.dma_semaphore, #tpu.memory_space<semaphore_mem>>) src(%dma_wait3A_57 : memref<640xf32, #tpu.memory_space<hbm>>) dst(%arg10 : memref<640xf32, #tpu.memory_space<vmem>>)
      tpu.yield
    }) : () -> ()
    "tpu.region"() ({
      %run_scoped3A = tpu.sem_alloc : memref<!tpu.dma_semaphore, #tpu.memory_space<semaphore_mem>>
      %dma_start3A = tpu.memref_slice %arg3[%select_n3A, %mul3A_32] : memref<4x5120xf32, #tpu.memory_space<hbm>> -> memref<1x640xf32, #tpu.memory_space<hbm>>
      %dma_start3A_52 = tpu.memref_squeeze %dma_start3A : memref<1x640xf32, #tpu.memory_space<hbm>> -> memref<640xf32, #tpu.memory_space<hbm>>
      %dma_start3A_53 = tpu.memref_slice %arg3[%select_n3A, %mul3A_32] : memref<4x5120xf32, #tpu.memory_space<hbm>> -> memref<1x640xf32, #tpu.memory_space<hbm>>
      %dma_start3A_54 = tpu.memref_squeeze %dma_start3A_53 : memref<1x640xf32, #tpu.memory_space<hbm>> -> memref<640xf32, #tpu.memory_space<hbm>>
      tpu.enqueue_dma source(%dma_start3A_54 : memref<640xf32, #tpu.memory_space<hbm>>) target(%arg11 : memref<640xf32, #tpu.memory_space<vmem>>) target_semaphore(%run_scoped3A : memref<!tpu.dma_semaphore, #tpu.memory_space<semaphore_mem>>)
      %dma_wait3A = tpu.memref_slice %arg3[%select_n3A, %mul3A_32] : memref<4x5120xf32, #tpu.memory_space<hbm>> -> memref<1x640xf32, #tpu.memory_space<hbm>>
      %dma_wait3A_55 = tpu.memref_squeeze %dma_wait3A : memref<1x640xf32, #tpu.memory_space<hbm>> -> memref<640xf32, #tpu.memory_space<hbm>>
      %dma_wait3A_56 = tpu.memref_slice %arg3[%select_n3A, %mul3A_32] : memref<4x5120xf32, #tpu.memory_space<hbm>> -> memref<1x640xf32, #tpu.memory_space<hbm>>
      %dma_wait3A_57 = tpu.memref_squeeze %dma_wait3A_56 : memref<1x640xf32, #tpu.memory_space<hbm>> -> memref<640xf32, #tpu.memory_space<hbm>>
      tpu.wait_dma2 semaphore(%run_scoped3A : memref<!tpu.dma_semaphore, #tpu.memory_space<semaphore_mem>>) src(%dma_wait3A_57 : memref<640xf32, #tpu.memory_space<hbm>>) dst(%arg11 : memref<640xf32, #tpu.memory_space<vmem>>)
      tpu.yield
    }) : () -> ()
    "tpu.region"() ({
      %run_scoped3A = tpu.sem_alloc : memref<!tpu.dma_semaphore, #tpu.memory_space<semaphore_mem>>
      %dma_start3A = tpu.memref_slice %arg4[%select_n3A, %mul3A_32] : memref<4x5120xf32, #tpu.memory_space<hbm>> -> memref<1x640xf32, #tpu.memory_space<hbm>>
      %dma_start3A_52 = tpu.memref_squeeze %dma_start3A : memref<1x640xf32, #tpu.memory_space<hbm>> -> memref<640xf32, #tpu.memory_space<hbm>>
      %dma_start3A_53 = tpu.memref_slice %arg4[%select_n3A, %mul3A_32] : memref<4x5120xf32, #tpu.memory_space<hbm>> -> memref<1x640xf32, #tpu.memory_space<hbm>>
      %dma_start3A_54 = tpu.memref_squeeze %dma_start3A_53 : memref<1x640xf32, #tpu.memory_space<hbm>> -> memref<640xf32, #tpu.memory_space<hbm>>
      tpu.enqueue_dma source(%dma_start3A_54 : memref<640xf32, #tpu.memory_space<hbm>>) target(%arg12 : memref<640xf32, #tpu.memory_space<vmem>>) target_semaphore(%run_scoped3A : memref<!tpu.dma_semaphore, #tpu.memory_space<semaphore_mem>>)
      %dma_wait3A = tpu.memref_slice %arg4[%select_n3A, %mul3A_32] : memref<4x5120xf32, #tpu.memory_space<hbm>> -> memref<1x640xf32, #tpu.memory_space<hbm>>
      %dma_wait3A_55 = tpu.memref_squeeze %dma_wait3A : memref<1x640xf32, #tpu.memory_space<hbm>> -> memref<640xf32, #tpu.memory_space<hbm>>
      %dma_wait3A_56 = tpu.memref_slice %arg4[%select_n3A, %mul3A_32] : memref<4x5120xf32, #tpu.memory_space<hbm>> -> memref<1x640xf32, #tpu.memory_space<hbm>>
      %dma_wait3A_57 = tpu.memref_squeeze %dma_wait3A_56 : memref<1x640xf32, #tpu.memory_space<hbm>> -> memref<640xf32, #tpu.memory_space<hbm>>
      tpu.wait_dma2 semaphore(%run_scoped3A : memref<!tpu.dma_semaphore, #tpu.memory_space<semaphore_mem>>) src(%dma_wait3A_57 : memref<640xf32, #tpu.memory_space<hbm>>) dst(%arg12 : memref<640xf32, #tpu.memory_space<vmem>>)
      tpu.yield
    }) : () -> ()
    "tpu.region"() ({
      %run_scoped3A = tpu.sem_alloc : memref<!tpu.dma_semaphore, #tpu.memory_space<semaphore_mem>>
      %dma_start3A = tpu.memref_slice %arg5[%select_n3A, %mul3A_32] : memref<4x5120xf32, #tpu.memory_space<hbm>> -> memref<1x640xf32, #tpu.memory_space<hbm>>
      %dma_start3A_52 = tpu.memref_squeeze %dma_start3A : memref<1x640xf32, #tpu.memory_space<hbm>> -> memref<640xf32, #tpu.memory_space<hbm>>
      %dma_start3A_53 = tpu.memref_slice %arg5[%select_n3A, %mul3A_32] : memref<4x5120xf32, #tpu.memory_space<hbm>> -> memref<1x640xf32, #tpu.memory_space<hbm>>
      %dma_start3A_54 = tpu.memref_squeeze %dma_start3A_53 : memref<1x640xf32, #tpu.memory_space<hbm>> -> memref<640xf32, #tpu.memory_space<hbm>>
      tpu.enqueue_dma source(%dma_start3A_54 : memref<640xf32, #tpu.memory_space<hbm>>) target(%arg13 : memref<640xf32, #tpu.memory_space<vmem>>) target_semaphore(%run_scoped3A : memref<!tpu.dma_semaphore, #tpu.memory_space<semaphore_mem>>)
      %dma_wait3A = tpu.memref_slice %arg5[%select_n3A, %mul3A_32] : memref<4x5120xf32, #tpu.memory_space<hbm>> -> memref<1x640xf32, #tpu.memory_space<hbm>>
      %dma_wait3A_55 = tpu.memref_squeeze %dma_wait3A : memref<1x640xf32, #tpu.memory_space<hbm>> -> memref<640xf32, #tpu.memory_space<hbm>>
      %dma_wait3A_56 = tpu.memref_slice %arg5[%select_n3A, %mul3A_32] : memref<4x5120xf32, #tpu.memory_space<hbm>> -> memref<1x640xf32, #tpu.memory_space<hbm>>
      %dma_wait3A_57 = tpu.memref_squeeze %dma_wait3A_56 : memref<1x640xf32, #tpu.memory_space<hbm>> -> memref<640xf32, #tpu.memory_space<hbm>>
      tpu.wait_dma2 semaphore(%run_scoped3A : memref<!tpu.dma_semaphore, #tpu.memory_space<semaphore_mem>>) src(%dma_wait3A_57 : memref<640xf32, #tpu.memory_space<hbm>>) dst(%arg13 : memref<640xf32, #tpu.memory_space<vmem>>)
      tpu.yield
    }) : () -> ()
    "tpu.region"() ({
      %run_scoped3A = tpu.sem_alloc : memref<!tpu.dma_semaphore, #tpu.memory_space<semaphore_mem>>
      %dma_start3A = arith.constant 0 : i32
      %dma_start3A_52 = tpu.memref_slice %arg6[%select_n3A, %dma_start3A] : memref<4x256xf32, #tpu.memory_space<hbm>> -> memref<1x256xf32, #tpu.memory_space<hbm>>
      %dma_start3A_53 = tpu.memref_squeeze %dma_start3A_52 : memref<1x256xf32, #tpu.memory_space<hbm>> -> memref<256xf32, #tpu.memory_space<hbm>>
      %dma_start3A_54 = arith.constant 0 : i32
      %dma_start3A_55 = tpu.memref_slice %arg6[%select_n3A, %dma_start3A_54] : memref<4x256xf32, #tpu.memory_space<hbm>> -> memref<1x256xf32, #tpu.memory_space<hbm>>
      %dma_start3A_56 = tpu.memref_squeeze %dma_start3A_55 : memref<1x256xf32, #tpu.memory_space<hbm>> -> memref<256xf32, #tpu.memory_space<hbm>>
      tpu.enqueue_dma source(%dma_start3A_56 : memref<256xf32, #tpu.memory_space<hbm>>) target(%arg14 : memref<256xf32, #tpu.memory_space<vmem>>) target_semaphore(%run_scoped3A : memref<!tpu.dma_semaphore, #tpu.memory_space<semaphore_mem>>)
      %dma_wait3A = arith.constant 0 : i32
      %dma_wait3A_57 = tpu.memref_slice %arg6[%select_n3A, %dma_wait3A] : memref<4x256xf32, #tpu.memory_space<hbm>> -> memref<1x256xf32, #tpu.memory_space<hbm>>
      %dma_wait3A_58 = tpu.memref_squeeze %dma_wait3A_57 : memref<1x256xf32, #tpu.memory_space<hbm>> -> memref<256xf32, #tpu.memory_space<hbm>>
      %dma_wait3A_59 = arith.constant 0 : i32
      %dma_wait3A_60 = tpu.memref_slice %arg6[%select_n3A, %dma_wait3A_59] : memref<4x256xf32, #tpu.memory_space<hbm>> -> memref<1x256xf32, #tpu.memory_space<hbm>>
      %dma_wait3A_61 = tpu.memref_squeeze %dma_wait3A_60 : memref<1x256xf32, #tpu.memory_space<hbm>> -> memref<256xf32, #tpu.memory_space<hbm>>
      tpu.wait_dma2 semaphore(%run_scoped3A : memref<!tpu.dma_semaphore, #tpu.memory_space<semaphore_mem>>) src(%dma_wait3A_61 : memref<256xf32, #tpu.memory_space<hbm>>) dst(%arg14 : memref<256xf32, #tpu.memory_space<vmem>>)
      tpu.yield
    }) : () -> ()
    %iota3A = tpu.iota {dimensions = array<i32: 0>} : vector<16xi32>
    %scan3A = arith.constant 0 : i32
    %scan3A_33 = arith.constant 0 : i32
    %scan3A_34 = arith.constant 40 : i32
    %scan3A_35 = arith.addi %scan3A_33, %scan3A_34 : i32
    %scan3A_36 = arith.constant 1 : i32
    %scan3A_37 = scf.for %scan3A_52 = %scan3A_33 to %scan3A_35 step %scan3A_36 iter_args(%scan3A_53 = %scan3A) -> (i32)  : i32 {
      %mul3A_54 = arith.constant 16 : i32
      %mul3A_55 = arith.muli %scan3A_52, %mul3A_54 : i32
      %get3A = arith.index_cast %mul3A_55 : i32 to index
      %get3A_56 = tpu.vector_load %arg12[%get3A] {strides = array<i32>} : memref<640xf32, #tpu.memory_space<vmem>>, vector<16xf32>,
      %get3A_57 = arith.index_cast %mul3A_55 : i32 to index
      %get3A_58 = tpu.vector_load %arg10[%get3A_57] {strides = array<i32>} : memref<640xf32, #tpu.memory_space<vmem>>, vector<16xf32>,
      %sub3A_59 = arith.subf %get3A_56, %get3A_58 : vector<16xf32>
      %get3A_60 = arith.index_cast %mul3A_55 : i32 to index
      %get3A_61 = tpu.vector_load %arg13[%get3A_60] {strides = array<i32>} : memref<640xf32, #tpu.memory_space<vmem>>, vector<16xf32>,
      %get3A_62 = arith.index_cast %mul3A_55 : i32 to index
      %get3A_63 = tpu.vector_load %arg11[%get3A_62] {strides = array<i32>} : memref<640xf32, #tpu.memory_space<vmem>>, vector<16xf32>,
      %sub3A_64 = arith.subf %get3A_61, %get3A_63 : vector<16xf32>
      %mul3A_65 = arith.mulf %sub3A_59, %sub3A_64 : vector<16xf32>
      %swap3A = arith.index_cast %mul3A_55 : i32 to index
      %swap3A_66 = tpu.vector_load %arg15[%swap3A] {strides = array<i32>} : memref<640xf32, #tpu.memory_space<vmem>>, vector<16xf32>,
      tpu.vector_store %arg15[%swap3A], %mul3A_65 {strides = array<i32>} : memref<640xf32, #tpu.memory_space<vmem>>, vector<16xf32>,
      %broadcast_in_dim3A = arith.constant -1 : i32
      %broadcast_in_dim3A_67 = vector.broadcast %broadcast_in_dim3A : i32 to vector<16xi32>
      %swap3A_68 = arith.index_cast %mul3A_55 : i32 to index
      %swap3A_69 = tpu.vector_load %arg16[%swap3A_68] {strides = array<i32>} : memref<640xi32, #tpu.memory_space<vmem>>, vector<16xi32>,
      tpu.vector_store %arg16[%swap3A_68], %broadcast_in_dim3A_67 {strides = array<i32>} : memref<640xi32, #tpu.memory_space<vmem>>, vector<16xi32>,
      %scan3A_70 = arith.constant 0 : i32
      scf.yield %scan3A_70 : i32
    }
    %scan3A_38 = arith.constant 40 : i32
    %scan3A_39 = arith.constant 0 : i32
    %scan3A_40 = arith.constant 0 : i32
    %scan3A_41 = arith.constant 50 : i32
    %scan3A_42 = arith.addi %scan3A_40, %scan3A_41 : i32
    %scan3A_43 = arith.constant 1 : i32
    %scan3A_44 = scf.for %scan3A_52 = %scan3A_40 to %scan3A_42 step %scan3A_43 iter_args(%scan3A_53 = %scan3A_39) -> (i32)  : i32 {
      %broadcast_in_dim3A = vector.broadcast %scan3A_52 : i32 to vector<16xi32>
      %gather3A = tpu.vector_load_idx %arg14[%broadcast_in_dim3A] : memref<256xf32, #tpu.memory_space<vmem>>[vector<16xi32>], vector<16xf32>,
      %add3A_54 = arith.constant 64 : i32
      %add3A_55 = vector.broadcast %add3A_54 : i32 to vector<16xi32>
      %add3A_56 = arith.addi %broadcast_in_dim3A, %add3A_55 : vector<16xi32>
      %gather3A_57 = tpu.vector_load_idx %arg14[%add3A_56] : memref<256xf32, #tpu.memory_space<vmem>>[vector<16xi32>], vector<16xf32>,
      %add3A_58 = arith.constant 128 : i32
      %add3A_59 = vector.broadcast %add3A_58 : i32 to vector<16xi32>
      %add3A_60 = arith.addi %broadcast_in_dim3A, %add3A_59 : vector<16xi32>
      %gather3A_61 = tpu.vector_load_idx %arg14[%add3A_60] : memref<256xf32, #tpu.memory_space<vmem>>[vector<16xi32>], vector<16xf32>,
      %add3A_62 = arith.constant 192 : i32
      %add3A_63 = vector.broadcast %add3A_62 : i32 to vector<16xi32>
      %add3A_64 = arith.addi %broadcast_in_dim3A, %add3A_63 : vector<16xi32>
      %gather3A_65 = tpu.vector_load_idx %arg14[%add3A_64] : memref<256xf32, #tpu.memory_space<vmem>>[vector<16xi32>], vector<16xf32>,
      %add3A_66 = arith.addf %gather3A, %gather3A_61 : vector<16xf32>
      %add3A_67 = arith.addf %gather3A_57, %gather3A_65 : vector<16xf32>
      %mul3A_68 = arith.mulf %gather3A_61, %gather3A_65 : vector<16xf32>
      %broadcast_in_dim3A_69 = arith.constant -1.000000e+00 : f32
      %broadcast_in_dim3A_70 = vector.broadcast %broadcast_in_dim3A_69 : f32 to vector<16xf32>
      %broadcast_in_dim3A_71 = arith.constant 1.000000e+00 : f32
      %broadcast_in_dim3A_72 = vector.broadcast %broadcast_in_dim3A_71 : f32 to vector<16xf32>
      %broadcast_in_dim3A_73 = arith.constant 0 : i32
      %broadcast_in_dim3A_74 = vector.broadcast %broadcast_in_dim3A_73 : i32 to vector<16xi32>
      %scan3A_75 = arith.constant 0 : i32
      %scan3A_76 = arith.constant 40 : i32
      %scan3A_77 = arith.addi %scan3A_75, %scan3A_76 : i32
      %scan3A_78 = arith.constant 1 : i32
      %scan3A_79:3 = scf.for %scan3A_107 = %scan3A_75 to %scan3A_77 step %scan3A_78 iter_args(%scan3A_108 = %broadcast_in_dim3A_70, %scan3A_109 = %broadcast_in_dim3A_72, %scan3A_110 = %broadcast_in_dim3A_74) -> (vector<16xf32>, vector<16xf32>, vector<16xi32>)  : i32 {
        %mul3A_111 = arith.constant 16 : i32
        %mul3A_112 = arith.muli %scan3A_107, %mul3A_111 : i32
        %get3A = arith.index_cast %mul3A_112 : i32 to index
        %get3A_113 = tpu.vector_load %arg12[%get3A] {strides = array<i32>} : memref<640xf32, #tpu.memory_space<vmem>>, vector<16xf32>,
        %min3A = arith.minimumf %get3A_113, %add3A_66 : vector<16xf32>
        %get3A_114 = arith.index_cast %mul3A_112 : i32 to index
        %get3A_115 = tpu.vector_load %arg10[%get3A_114] {strides = array<i32>} : memref<640xf32, #tpu.memory_space<vmem>>, vector<16xf32>,
        %max3A = arith.maximumf %get3A_115, %gather3A : vector<16xf32>
        %sub3A_116 = arith.subf %min3A, %max3A : vector<16xf32>
        %max3A_117 = arith.constant 0.000000e+00 : f32
        %max3A_118 = vector.broadcast %max3A_117 : f32 to vector<16xf32>
        %max3A_119 = arith.maximumf %sub3A_116, %max3A_118 : vector<16xf32>
        %get3A_120 = arith.index_cast %mul3A_112 : i32 to index
        %get3A_121 = tpu.vector_load %arg13[%get3A_120] {strides = array<i32>} : memref<640xf32, #tpu.memory_space<vmem>>, vector<16xf32>,
        %min3A_122 = arith.minimumf %get3A_121, %add3A_67 : vector<16xf32>
        %get3A_123 = arith.index_cast %mul3A_112 : i32 to index
        %get3A_124 = tpu.vector_load %arg11[%get3A_123] {strides = array<i32>} : memref<640xf32, #tpu.memory_space<vmem>>, vector<16xf32>,
        %max3A_125 = arith.maximumf %get3A_124, %gather3A_57 : vector<16xf32>
        %sub3A_126 = arith.subf %min3A_122, %max3A_125 : vector<16xf32>
        %max3A_127 = arith.constant 0.000000e+00 : f32
        %max3A_128 = vector.broadcast %max3A_127 : f32 to vector<16xf32>
        %max3A_129 = arith.maximumf %sub3A_126, %max3A_128 : vector<16xf32>
        %mul3A_130 = arith.mulf %max3A_119, %max3A_129 : vector<16xf32>
        %get3A_131 = arith.index_cast %mul3A_112 : i32 to index
        %get3A_132 = tpu.vector_load %arg15[%get3A_131] {strides = array<i32>} : memref<640xf32, #tpu.memory_space<vmem>>, vector<16xf32>,
        %add3A_133 = arith.addf %mul3A_68, %get3A_132 : vector<16xf32>
        %sub3A_134 = arith.subf %add3A_133, %mul3A_130 : vector<16xf32>
        %add3A_135 = arith.addf %mul3A_130, %mul3A_130 : vector<16xf32>
        %gt3A = arith.cmpf ogt, %add3A_135, %sub3A_134 : vector<16xf32>
        %get3A_136 = arith.index_cast %mul3A_112 : i32 to index
        %get3A_137 = tpu.vector_load %arg16[%get3A_136] {strides = array<i32>} : memref<640xi32, #tpu.memory_space<vmem>>, vector<16xi32>,
        %broadcast_in_dim3A_138 = vector.broadcast %scan3A_52 : i32 to vector<16xi32>
        %select_n3A_139 = arith.select %gt3A, %broadcast_in_dim3A_138, %get3A_137 : vector<16xi1>, vector<16xi32>
        %swap3A = arith.index_cast %mul3A_112 : i32 to index
        %swap3A_140 = tpu.vector_load %arg16[%swap3A] {strides = array<i32>} : memref<640xi32, #tpu.memory_space<vmem>>, vector<16xi32>,
        tpu.vector_store %arg16[%swap3A], %select_n3A_139 {strides = array<i32>} : memref<640xi32, #tpu.memory_space<vmem>>, vector<16xi32>,
        %mul3A_141 = arith.constant 16 : i32
        %mul3A_142 = arith.muli %scan3A_107, %mul3A_141 : i32
        %add3A_143 = arith.addi %mul3A_32, %mul3A_142 : i32
        %add3A_144 = vector.broadcast %add3A_143 : i32 to vector<16xi32>
        %add3A_145 = arith.addi %add3A_144, %iota3A : vector<16xi32>
        %mul3A_146 = arith.mulf %mul3A_130, %scan3A_109 : vector<16xf32>
        %mul3A_147 = arith.mulf %scan3A_108, %sub3A_134 : vector<16xf32>
        %gt3A_148 = arith.cmpf ogt, %mul3A_146, %mul3A_147 : vector<16xf32>
        %select_n3A_149 = arith.select %gt3A_148, %mul3A_130, %scan3A_108 : vector<16xi1>, vector<16xf32>
        %select_n3A_150 = arith.select %gt3A_148, %sub3A_134, %scan3A_109 : vector<16xi1>, vector<16xf32>
        %select_n3A_151 = arith.select %gt3A_148, %add3A_145, %scan3A_110 : vector<16xi1>, vector<16xi32>
        scf.yield %select_n3A_149, %select_n3A_150, %select_n3A_151 : vector<16xf32>, vector<16xf32>, vector<16xi32>
      }
      %scan3A_80 = arith.constant 40 : i32
      %div3A_81 = arith.divf %scan3A_79#0, %scan3A_79#1 : vector<16xf32>
      %reduce_max3A = arith.constant true
      %reduce_max3A_82 = vector.broadcast %reduce_max3A : i1 to vector<16xi1>
      %reduce_max3A_83 = tpu.scan <max>, %div3A_81 masked %reduce_max3A_82 : vector<16xf32>, vector<16xi1> -> vector<16xf32>
      %reduce_max3A_84 = vector.extract %reduce_max3A_83[15] : f32 from vector<16xf32>
      %eq3A_85 = vector.broadcast %reduce_max3A_84 : f32 to vector<16xf32>
      %eq3A_86 = arith.cmpf oeq, %div3A_81, %eq3A_85 : vector<16xf32>
      %jit3A_87 = arith.constant 1073741824 : i32
      %broadcast_in_dim3A_88 = vector.broadcast %jit3A_87 : i32 to vector<16xi32>
      %select_n3A_89 = arith.select %eq3A_86, %scan3A_79#2, %broadcast_in_dim3A_88 : vector<16xi1>, vector<16xi32>
      %reduce_min3A = arith.constant true
      %reduce_min3A_90 = vector.broadcast %reduce_min3A : i1 to vector<16xi1>
      %reduce_min3A_91 = arith.constant -2147483648 : i32
      %reduce_min3A_92 = vector.broadcast %reduce_min3A_91 : i32 to vector<16xi32>
      %reduce_min3A_93 = arith.xori %select_n3A_89, %reduce_min3A_92 : vector<16xi32>
      %reduce_min3A_94 = tpu.scan <min>, %reduce_min3A_93 masked %reduce_min3A_90 : vector<16xi32>, vector<16xi1> -> vector<16xi32>
      %reduce_min3A_95 = arith.xori %reduce_min3A_94, %reduce_min3A_92 : vector<16xi32>
      %reduce_min3A_96 = vector.extract %reduce_min3A_95[15] : i32 from vector<16xi32>
      %broadcast_in_dim3A_97 = vector.broadcast %scan3A_52 : i32 to vector<16xi32>
      %broadcast_in_dim3A_98 = vector.broadcast %reduce_max3A_84 : f32 to vector<16xf32>
      %eq3A_99 = arith.constant 0 : i32
      %eq3A_100 = vector.broadcast %eq3A_99 : i32 to vector<16xi32>
      %eq3A_101 = arith.cmpi eq, %iota3A, %eq3A_100 : vector<16xi32>
      tpu.vector_store_idx %arg17[%broadcast_in_dim3A_97], %broadcast_in_dim3A_98 masked %eq3A_101 : memref<64xf32, #tpu.memory_space<vmem>>[vector<16xi32>], vector<16xf32>, vector<16xi1>
      %broadcast_in_dim3A_102 = vector.broadcast %reduce_min3A_96 : i32 to vector<16xi32>
      %eq3A_103 = arith.constant 0 : i32
      %eq3A_104 = vector.broadcast %eq3A_103 : i32 to vector<16xi32>
      %eq3A_105 = arith.cmpi eq, %iota3A, %eq3A_104 : vector<16xi32>
      tpu.vector_store_idx %arg18[%broadcast_in_dim3A_97], %broadcast_in_dim3A_102 masked %eq3A_105 : memref<64xi32, #tpu.memory_space<vmem>>[vector<16xi32>], vector<16xi32>, vector<16xi1>
      %scan3A_106 = arith.constant 0 : i32
      scf.yield %scan3A_106 : i32
    }
    %scan3A_45 = arith.constant 50 : i32
    %mul3A_46 = arith.constant 64 : i32
    %mul3A_47 = arith.muli %add3A, %mul3A_46 : i32
    "tpu.region"() ({
      %run_scoped3A = tpu.sem_alloc : memref<!tpu.dma_semaphore, #tpu.memory_space<semaphore_mem>>
      %dma_start3A = tpu.memref_slice %arg7[%mul3A_47] : memref<2048xf32, #tpu.memory_space<hbm>> -> memref<64xf32, #tpu.memory_space<hbm>>
      %dma_start3A_52 = tpu.memref_slice %arg7[%mul3A_47] : memref<2048xf32, #tpu.memory_space<hbm>> -> memref<64xf32, #tpu.memory_space<hbm>>
      tpu.enqueue_dma source(%arg17 : memref<64xf32, #tpu.memory_space<vmem>>) target(%dma_start3A_52 : memref<64xf32, #tpu.memory_space<hbm>>) target_semaphore(%run_scoped3A : memref<!tpu.dma_semaphore, #tpu.memory_space<semaphore_mem>>)
      %dma_wait3A = tpu.memref_slice %arg7[%mul3A_47] : memref<2048xf32, #tpu.memory_space<hbm>> -> memref<64xf32, #tpu.memory_space<hbm>>
      %dma_wait3A_53 = tpu.memref_slice %arg7[%mul3A_47] : memref<2048xf32, #tpu.memory_space<hbm>> -> memref<64xf32, #tpu.memory_space<hbm>>
      tpu.wait_dma2 semaphore(%run_scoped3A : memref<!tpu.dma_semaphore, #tpu.memory_space<semaphore_mem>>) src(%arg17 : memref<64xf32, #tpu.memory_space<vmem>>) dst(%dma_wait3A_53 : memref<64xf32, #tpu.memory_space<hbm>>)
      tpu.yield
    }) : () -> ()
    %mul3A_48 = arith.constant 64 : i32
    %mul3A_49 = arith.muli %add3A, %mul3A_48 : i32
    "tpu.region"() ({
      %run_scoped3A = tpu.sem_alloc : memref<!tpu.dma_semaphore, #tpu.memory_space<semaphore_mem>>
      %dma_start3A = tpu.memref_slice %arg8[%mul3A_49] : memref<2048xi32, #tpu.memory_space<hbm>> -> memref<64xi32, #tpu.memory_space<hbm>>
      %dma_start3A_52 = tpu.memref_slice %arg8[%mul3A_49] : memref<2048xi32, #tpu.memory_space<hbm>> -> memref<64xi32, #tpu.memory_space<hbm>>
      tpu.enqueue_dma source(%arg18 : memref<64xi32, #tpu.memory_space<vmem>>) target(%dma_start3A_52 : memref<64xi32, #tpu.memory_space<hbm>>) target_semaphore(%run_scoped3A : memref<!tpu.dma_semaphore, #tpu.memory_space<semaphore_mem>>)
      %dma_wait3A = tpu.memref_slice %arg8[%mul3A_49] : memref<2048xi32, #tpu.memory_space<hbm>> -> memref<64xi32, #tpu.memory_space<hbm>>
      %dma_wait3A_53 = tpu.memref_slice %arg8[%mul3A_49] : memref<2048xi32, #tpu.memory_space<hbm>> -> memref<64xi32, #tpu.memory_space<hbm>>
      tpu.wait_dma2 semaphore(%run_scoped3A : memref<!tpu.dma_semaphore, #tpu.memory_space<semaphore_mem>>) src(%arg18 : memref<64xi32, #tpu.memory_space<vmem>>) dst(%dma_wait3A_53 : memref<64xi32, #tpu.memory_space<hbm>>)
      tpu.yield
    }) : () -> ()
    %mul3A_50 = arith.constant 640 : i32
    %mul3A_51 = arith.muli %add3A, %mul3A_50 : i32
    "tpu.region"() ({
      %run_scoped3A = tpu.sem_alloc : memref<!tpu.dma_semaphore, #tpu.memory_space<semaphore_mem>>
      %dma_start3A = tpu.memref_slice %arg9[%mul3A_51] : memref<20480xi32, #tpu.memory_space<hbm>> -> memref<640xi32, #tpu.memory_space<hbm>>
      %dma_start3A_52 = tpu.memref_slice %arg9[%mul3A_51] : memref<20480xi32, #tpu.memory_space<hbm>> -> memref<640xi32, #tpu.memory_space<hbm>>
      tpu.enqueue_dma source(%arg16 : memref<640xi32, #tpu.memory_space<vmem>>) target(%dma_start3A_52 : memref<640xi32, #tpu.memory_space<hbm>>) target_semaphore(%run_scoped3A : memref<!tpu.dma_semaphore, #tpu.memory_space<semaphore_mem>>)
      %dma_wait3A = tpu.memref_slice %arg9[%mul3A_51] : memref<20480xi32, #tpu.memory_space<hbm>> -> memref<640xi32, #tpu.memory_space<hbm>>
      %dma_wait3A_53 = tpu.memref_slice %arg9[%mul3A_51] : memref<20480xi32, #tpu.memory_space<hbm>> -> memref<640xi32, #tpu.memory_space<hbm>>
      tpu.wait_dma2 semaphore(%run_scoped3A : memref<!tpu.dma_semaphore, #tpu.memory_space<semaphore_mem>>) src(%arg16 : memref<640xi32, #tpu.memory_space<vmem>>) dst(%dma_wait3A_53 : memref<640xi32, #tpu.memory_space<hbm>>)
      tpu.yield
    }) : () -> ()
    return
  }
}

module attributes {stable_mosaic.version = 14 : i64} {
  func.func @_tc_body(%arg0: i32, %arg1: memref<4000x81xf32, #tpu.memory_space<vmem>>, %arg2: memref<1x1xf32, #tpu.memory_space<smem>>, %arg3: memref<1xf32, #tpu.memory_space<smem>>) attributes {dimension_semantics = [#tpu.dimension_semantics<arbitrary>], iteration_bounds = array<i64: 5>, scalar_prefetch = 0 : i64, scratch_operands = 1 : i64, tpu.core_type = #tpu.core_type<tc>, window_params = [{transform_indices = @transform_0, window_bounds = array<i64: 4000, 81>}, {transform_indices = @transform_1, window_bounds = array<i64: 1, 1>}]} {
    %eq3A = arith.constant 0 : i32
    %eq3A_0 = arith.cmpi eq, %arg0, %eq3A : i32
    %convert_element_type3A = arith.extui %eq3A_0 : i1 to i32
    %cond3A = arith.constant 0 : i32
    %cond3A_1 = arith.cmpi ne, %convert_element_type3A, %cond3A : i32
    scf.if %cond3A_1 {
      %swap3A_22 = arith.constant 0.000000e+00 : f32
      %swap3A_23 = arith.constant 0 : index
      %swap3A_24 = memref.load %arg3[%swap3A_23] : memref<1xf32, #tpu.memory_space<smem>>
      memref.store %swap3A_22, %arg3[%swap3A_23] : memref<1xf32, #tpu.memory_space<smem>>
    } else {
    }
    %get3A = arith.constant 0 : index
    %get3A_2 = arith.constant 0 : index
    %get3A_3 = vector.load %arg1[%get3A, %get3A_2] : memref<4000x81xf32, #tpu.memory_space<vmem>>, vector<4000x81xf32>
    %reduce_max3A = arith.constant dense<0xFF800000> : vector<4000xf32>
    %reduce_max3A_4 = vector.multi_reduction <maximumf>, %get3A_3, %reduce_max3A [1] : vector<4000x81xf32> to vector<4000xf32>
    %broadcast_in_dim3A = vector.shape_cast %reduce_max3A_4 : vector<4000xf32> to vector<4000x1xf32>
    %sub3A = vector.broadcast %broadcast_in_dim3A : vector<4000x1xf32> to vector<4000x81xf32>
    %sub3A_5 = arith.subf %get3A_3, %sub3A : vector<4000x81xf32>
    %exp3A = math.exp %sub3A_5 : vector<4000x81xf32>
    %reduce_sum3A = arith.constant dense<0.000000e+00> : vector<4000xf32>
    %reduce_sum3A_6 = vector.multi_reduction <add>, %exp3A, %reduce_sum3A [1] : vector<4000x81xf32> to vector<4000xf32>
    %broadcast_in_dim3A_7 = vector.shape_cast %reduce_sum3A_6 : vector<4000xf32> to vector<4000x1xf32>
    %log3A = math.log %broadcast_in_dim3A_7 : vector<4000x1xf32>
    %add3A = arith.addf %broadcast_in_dim3A, %log3A : vector<4000x1xf32>
    %get3A_8 = arith.constant 0 : index
    %get3A_9 = memref.load %arg3[%get3A_8] : memref<1xf32, #tpu.memory_space<smem>>
    %reduce_sum3A_10 = vector.shape_cast %add3A : vector<4000x1xf32> to vector<1x4000x1xf32>
    %reduce_sum3A_11 = arith.constant dense<0.000000e+00> : vector<1xf32>
    %reduce_sum3A_12 = vector.multi_reduction <add>, %reduce_sum3A_10, %reduce_sum3A_11 [1, 2] : vector<1x4000x1xf32> to vector<1xf32>
    %reduce_sum3A_13 = vector.shape_cast %reduce_sum3A_12 : vector<1xf32> to vector<1x1x1xf32>
    %reduce_sum3A_14 = vector.extract %reduce_sum3A_13[0, 0, 0] : f32 from vector<1x1x1xf32>
    %add3A_15 = arith.addf %get3A_9, %reduce_sum3A_14 : f32
    %swap3A = arith.constant 0 : index
    %swap3A_16 = memref.load %arg3[%swap3A] : memref<1xf32, #tpu.memory_space<smem>>
    memref.store %add3A_15, %arg3[%swap3A] : memref<1xf32, #tpu.memory_space<smem>>
    %eq3A_17 = arith.constant 4 : i32
    %eq3A_18 = arith.cmpi eq, %arg0, %eq3A_17 : i32
    %convert_element_type3A_19 = arith.extui %eq3A_18 : i1 to i32
    %cond3A_20 = arith.constant 0 : i32
    %cond3A_21 = arith.cmpi ne, %convert_element_type3A_19, %cond3A_20 : i32
    scf.if %cond3A_21 {
      %get3A_22 = arith.constant 0 : index
      %get3A_23 = memref.load %arg3[%get3A_22] : memref<1xf32, #tpu.memory_space<smem>>
      %swap3A_24 = arith.constant 0 : index
      %swap3A_25 = arith.constant 0 : index
      %swap3A_26 = memref.load %arg2[%swap3A_24, %swap3A_25] : memref<1x1xf32, #tpu.memory_space<smem>>
      memref.store %get3A_23, %arg2[%swap3A_24, %swap3A_25] : memref<1x1xf32, #tpu.memory_space<smem>>
    } else {
    }
    return
  }
  func.func @transform_0(%arg0: i32) -> (i32, i32) {
    %c0_i32 = arith.constant 0 : i32
    %c0_i32_0 = arith.constant 0 : i32
    return %arg0, %c0_i32 : i32, i32
  }
  func.func @transform_1(%arg0: i32) -> (i32, i32) {
    %c0_i32 = arith.constant 0 : i32
    %c0_i32_0 = arith.constant 0 : i32
    %c0_i32_1 = arith.constant 0 : i32
    return %c0_i32, %c0_i32_0 : i32, i32
  }
}

</mosaic_0001>

<sc_bundles>
// kernel: kernel.5.cloned.1.call-start
scs
__scs_entry_jumppad:
0x0: {  	(pc) =	sbr.rel $0x88, $3  }
0x1: {  	(tag) =	ssettag $0x0;
	lr =	simm.s32 $0x1  }
0x2: {  	[smem:$0x3F9C] =	sst lr;
	_ =	strace $0xD0000000  }
0x3: {  	_ = 	snop  }
0x4: {  	_ = 	snop  }
0x5: {  	_ = 	snop  }
0x6: {  	_ = 	snop  }
0x7: {  	_ = 	snop  }
__scs_overlays_trampoline_lowered:
0x8: {  	[smem:$0x3FAB] =	sst s0  }
0x9: {  	[smem:$0x3FAC] =	sst s1  }
0xa: {  	[smem:$0x3FAD] =	sst s2  }
0xb: {  	[smem:$0x3FAE] =	sst s3  }
0xc: {  	[smem:$0x3FAF] =	sst s4  }
0xd: {  	[smem:$0x3FB0] =	sst s5  }
0xe: {  	[smem:$0x3FB1] =	sst s6  }
0xf: {  	[smem:$0x3FB2] =	sst s7  }
0x10: {  	[smem:$0x3FB3] =	sst s8  }
0x11: {  	[smem:$0x3FB4] =	sst s9;
	s0 =	simm.s32 @!p0 $0x0  }
0x12: {  	s1 =	sld [smem:$0x3F9A];
	s0 =	simm.s32 @p0 $0x1  }
0x13: {  	[smem:$0x3FB5] =	sst s0;
	s0 =	simm.s32 @!p1 $0x0  }
0x14: {  	s2 =	sld [smem:$0x3F99];
	s0 =	simm.s32 @p1 $0x1  }
0x15: {  	[smem:$0x3FB6] =	sst s0;
	s0 =	simm.s32 @!p2 $0x0  }
0x16: {  	s3 =	sld [smem:$0x3FDB];
	s0 =	simm.s32 @p2 $0x1  }
0x17: {  	s4 =	simm.s32 $0x1BF5;
	[smem:$0x3FB8] =	sst s0  }
0x18: {  	s0 =	sld [smem:$0x3F9B];
	_ =	swait.ge [sflag:s4], $0x0  }
0x19: {  	s7 =	sld [smem:$0x3F9C]  }
0x1a: {  	s8 =	sadd.s32 $0xFFFFE003, lr  }
0x1b: {  	s9 =	sadd.s32 $0xFFFFFEF7, lr;
	s5 =	simm.s32 $0xFFFFFFFF;
	p2 =	slt.u32 s8, $0xFFFFF086  }
0x1c: {  	p1 =	slt.u32 s9, $0xF7A;
	s5 =	simm.s32 @!p2 $0x0  }
0x1d: {  	s5 =	simm.s32 @p1 $0x1;
	p0 =	seq.s32 s7, s2  }
0x1e: {  	s7 =	smul.u32 @!p0 $0xF7A, s2;
	p2 =	seq.s32 @!p0 s5, $0x0  }
0x1f: {  	s9 =	smul.u32 $0xF7A, s1;
	s8 =	simm.s32 @!p0 $0x1BF5;
	p2 =	por !p2, p0  }
0x20: {  	[sflag:s8] =	ssyncset.s32 @!p0 $0xFFFFF086;
	s6 =	sadd.s32 @!p0 s3, s7;
	s7 =	simm.s32 @!p0 $0x108  }
0x21: {  	s3 =	sadd.s32 s3, s9;
	s6 =	sadd.s32 @!p0 $0x88, s6;
	s7 =	simm.s32 @p2 $0x1082  }
0x22: {  	[simem:s7], [sflag:s8] =	dma.local @!p0 [hbm:s6], $0xF7A  }
0x23: {  	s9 =	sor.u32 $0xD0000000, s2;
	s6 =	simm.s32 $0x108;
	_ =	swait.ge @!p0 [sflag:s8], $0x0  }
0x24: {  	s3 =	sadd.s32 $0x88, s3;
	s6 =	simm.s32 @!p1 $0x1082;
	[sflag:s4] =	ssyncset.s32 $0xFFFFF086  }
0x25: {  	[simem:s6], [sflag:s4] =	dma.local [hbm:s3], $0xF7A  }
0x26: {  	[smem:$0x3F9C] =	sst s1;
	(tag) =	ssettag s2;
	_ =	strace s9  }
0x27: {  	s1 =	sld [smem:$0x3FAC]  }
0x28: {  	s2 =	sld [smem:$0x3FAD]  }
0x29: {  	s4 =	sld [smem:$0x3FAF]  }
0x2a: {  	p0 =	seq.s32 s5, $0x0;
	s5 =	sld [smem:$0x3FB0]  }
0x2b: {  	s6 =	sld [smem:$0x3FB1]  }
0x2c: {  	s7 =	sld [smem:$0x3FB2]  }
0x2d: {  	s3 =	simm.s32 $0x108;
	s8 =	sld [smem:$0x3FB3]  }
0x2e: {  	s3 =	simm.s32 @!p0 $0x1082;
	s9 =	sld [smem:$0x3FB4]  }
0x2f: {  	lr =	sadd.s32 s0, s3;
	s0 =	sld [smem:$0x3FAB]  }
0x30: {  	s3 =	sld [smem:$0x3FAE]  }
0x31: {  	[smem:$0x3FB7] =	sst s10  }
0x32: {  	s10 =	sld [smem:$0x3FB5];
	_ =	sdelay $0x3  }
0x33: {  	p0 =	seq.s32 s10, $0x1;
	s10 =	sld [smem:$0x3FB7];
	_ =	sdelay $0x3  }
0x34: {  	[smem:$0x3FB7] =	sst s10  }
0x35: {  	s10 =	sld [smem:$0x3FB6];
	_ =	sdelay $0x3  }
0x36: {  	p1 =	seq.s32 s10, $0x1;
	s10 =	sld [smem:$0x3FB7];
	_ =	sdelay $0x3  }
0x37: {  	[smem:$0x3FB7] =	sst s10  }
0x38: {  	s10 =	sld [smem:$0x3FB8]  }
0x39: {  	_ = 	snop;
	(pc) =	sbr.ind lr, $3  }
0x3a: {  	_ = 	snop  }
0x3b: {  	_ = 	snop  }
0x3c: {  	p2 =	seq.s32 s10, $0x1;
	s10 =	sld [smem:$0x3FB7]  }
0x3d: {  	_ =	shalt  }
0x3e: {  	_ =	shalt  }
0x3f: {  	_ =	shalt  }
0x40: {  	_ =	shalt  }
0x41: {  	_ =	shalt  }
0x42: {  	_ =	shalt  }
0x43: {  	_ =	shalt  }
0x44: {  	_ =	shalt  }
0x45: {  	_ =	shalt  }
0x46: {  	_ =	shalt  }
0x47: {  	_ =	shalt  }
0x48: {  	_ =	shalt  }
0x49: {  	_ =	shalt  }
0x4a: {  	_ =	shalt  }
0x4b: {  	_ =	shalt  }
0x4c: {  	_ =	shalt  }
0x4d: {  	_ =	shalt  }
0x4e: {  	_ =	shalt  }
0x4f: {  	_ =	shalt  }
0x50: {  	_ =	shalt  }
0x51: {  	_ =	shalt  }
0x52: {  	_ =	shalt  }
0x53: {  	_ =	shalt  }
0x54: {  	_ =	shalt  }
0x55: {  	_ =	shalt  }
0x56: {  	_ =	shalt  }
0x57: {  	_ =	shalt  }
0x58: {  	_ =	shalt  }
0x59: {  	_ =	shalt  }
0x5a: {  	_ =	shalt  }
0x5b: {  	_ =	shalt  }
0x5c: {  	_ =	shalt  }
0x5d: {  	_ =	shalt  }
0x5e: {  	_ =	shalt  }
0x5f: {  	_ =	shalt  }
0x60: {  	_ =	shalt  }
0x61: {  	_ =	shalt  }
0x62: {  	_ =	shalt  }
0x63: {  	_ =	shalt  }
0x64: {  	_ =	shalt  }
0x65: {  	_ =	shalt  }
0x66: {  	_ =	shalt  }
0x67: {  	_ =	shalt  }
0x68: {  	_ =	shalt  }
0x69: {  	_ =	shalt  }
0x6a: {  	_ =	shalt  }
0x6b: {  	_ =	shalt  }
0x6c: {  	_ =	shalt  }
0x6d: {  	_ =	shalt  }
0x6e: {  	_ =	shalt  }
0x6f: {  	_ =	shalt  }
0x70: {  	_ =	shalt  }
0x71: {  	_ =	shalt  }
0x72: {  	_ =	shalt  }
0x73: {  	_ =	shalt  }
0x74: {  	_ =	shalt  }
0x75: {  	_ =	shalt  }
0x76: {  	_ =	shalt  }
0x77: {  	_ =	shalt  }
0x78: {  	_ =	shalt  }
0x79: {  	_ =	shalt  }
0x7a: {  	_ =	shalt  }
0x7b: {  	_ =	shalt  }
0x7c: {  	_ =	shalt  }
0x7d: {  	_ =	shalt  }
0x7e: {  	_ =	shalt  }
0x7f: {  	_ =	shalt  }
0x80: {  	_ =	shalt  }
0x81: {  	_ =	shalt  }
0x82: {  	_ =	shalt  }
0x83: {  	_ =	shalt  }
0x84: {  	_ =	shalt  }
0x85: {  	_ =	shalt  }
0x86: {  	_ =	shalt  }
0x87: {  	_ =	shalt  }
.Lfunc_end0:
.L_simem_size_0:
called_computation_lowered:
.L_overlay_start_0:
0x88: {  	s2 =	sld [smem:$0x3FD9]  }
0x89: {  	s3 =	sld [smem:$0x3FFE];
	_ =	sdelay $0x1  }
0x8a: {  	s1 =	srdreg.scid  }
0x8b: {  	s0 =	sand.u32 $0x1, s1  }
0x8c: {  	s16 =	sshll.u32 s0, $0xA;
	s2 =	sadd.s32 s3, s2  }
0x8d: {  	s2 =	sadd.s32 s2, s16  }
0x8e: {  	[smem:$0x3FC3] =	sst s2  }
0x8f: {  	_ = 	snop  }
0x90: {  	(tm) =	ssettm $0x1  }
0x91: {  	s17 =	sld [smem:$0x3FFB];
	_ =	sdelay $0x3  }
0x92: {  	_ =	strace s17  }
0x93: {  	s2 =	sld [smem:$0x3FFC];
	_ =	sdelay $0x3  }
0x94: {  	_ =	strace s2  }
0x95: {  	s2 =	sld [smem:$0x3FFD];
	_ =	sdelay $0x3  }
0x96: {  	_ =	strace s2  }
0x97: {  	_ =	strace $0x8FFFFFFF  }
0x98: {  	s18 =	sld [smem:$0x3FDB];
	_ =	sdelay $0x1  }
0x99: {  	s19 =	simm.s32 $_scs_section_size  }
0x9a: {  	s4 =	simm.s32 $_size__tile_overlayer_lowered;
	s5 =	simm.s32 $_tile_overlayer_lowered  }
0x9b: {  	s22 =	simm.s32 $0x1BFF;
	s21 =	sshll.u32 s5, $0x1;
	s2 =	sadd.s32 s19, s18  }
0x9c: {  	s6 =	simm.s32 $0x0;
	s20 =	sshll.u32 s4, $0x1;
	s4 =	sadd.s32 s21, s2  }
0x9d: {  	[timem:s6], [sflag:s22] =	dma.local [hbm:s4], s20  }
0x9e: {  	_ =	swait.ge [sflag:s22], s20  }
0x9f: {  	s3 =	ssub.s32 $0x0, s20;
	[sflag:s22] =	ssyncset.done $0x0  }
0xa0: {  	[sflag:s22] =	ssyncadd.s32 s3;
	_ =	sdelay $0x1  }
0xa1: {  	s23 =	simm.s32 $0x1B8B  }
0xa2: {  	_ =	swait.ge [sflag:s23], $0x1  }
0xa3: {  	[sflag:s23] =	ssyncset.done $0x0  }
0xa4: {  	s25 =	simm.s32 $0x1B8E;
	s24 =	sld [smem:$0x3FFE];
	[sflag:s23] =	ssyncadd.s32 $0xFFFFFFFF  }
0xa5: {  	s26 =	simm.s32 $execute0_lowered;
	[smem:$0x3FD2] =	sst s25  }
0xa6: {  	s4 =	sshll.u32 s26, $0x1;
	_ =	strace $0x80000046;
	[dreg:$0x1] =	wrdreg $0xFFFFFFFF  }
0xa7: {  	s28 =	simm.s32 $_size_execute0_lowered;
	s2 =	sadd.s32 s2, s4;
	[dreg:$0x0] =	wrdreg $0x0  }
0xa8: {  	s4 =	sshll.u32 s28, $0x1;
	[dreg:$0x2] =	wrdreg s2  }
0xa9: {  	[dreg:$0x3] =	wrdreg s4  }
0xaa: {  	[dreg:$0x4] =	wrdreg $0xC0  }
0xab: {  	_ =	task [dreg:s6], $0x5FFFF  }
0xac: {  	[dreg:$0x1] =	wrdreg $0xFFFFFFFF  }
0xad: {  	[dreg:$0x0] =	wrdreg $0x60  }
0xae: {  	[dreg:$0x2] =	wrdreg s24  }
0xaf: {  	[dreg:$0x3] =	wrdreg $0x9  }
0xb0: {  	_ =	task.clear_ibuf [dreg:s6], $0x4FFFF;
	_ =	strace $0x90000046  }
0xb1: {  	s29 =	simm.s32 $0x9;
	_ =	strace $0x80000048  }
0xb2: {  	_ =	swait.ge [sflag:s29], $0x1  }
0xb3: {  	[sflag:s29] =	ssyncadd.s32 $0xFFFFFFFF  }
0xb4: {  	_ =	strace $0x90000048  }
0xb5: {  	_ =	sfence  }
0xb6: {  	s30 =	sld [smem:$0x0];
	_ =	sdelay $0x2  }
0xb7: {  	s31 =	sshll.u32 s1, $0xD;
	s1 =	sshrl.u32 s1, $0x2  }
0xb8: {  	s3 =	sand.u32 $0x4000, s31;
	s1 =	sadd.s32 s1, s30  }
0xb9: {  	s0 =	sor.u32 s3, s0;
	s1 =	sshll.u32 s1, $0x11  }
0xba: {  	s0 =	sor.u32 s1, s0  }
0xbb: {  	s0 =	sadd.s32 $0x8F2B, s0  }
0xbc: {  	[sflag:s0] =	ssyncadd.remote.s32 $0x1  }
0xbd: {  	_ =	sfence.sel $0xFFFF  }
0xbe: {  	[dreg:$0x0] =	wrdreg $0xFFFFFFFF;
	(pc) =	sbr.abs _section_cstart, $3  }
0xbf: {  	[dreg:$0x1] =	wrdreg $0xFFFFFFFF  }
0xc0: {  	_ =	task.clear_ibuf [dreg:s6], $0x2FFFF;
	_ =	strace $0x9FFFFFFF  }
0xc1: {  	(tm) =	ssettm $0x7FFFFFFF  }
tec
execute0_lowered:
.L_overlay_start_1:
0x0: {  	(tag) =	ssettag $0x1  }
0x1: {  	s1 =	srdreg.scid;
	s0 =	stileid.u32  }
0x2: {  	s6 =	rddreg [dreg:$0x0];
	s2 =	simm.s32 $0x0;
	s14 =	simm.s32 $0x200  }
0x3: {  	s15 =	simm.s32 $0x1;
	s16 =	simm.s32 $0x280;
	s17 =	simm.s32 $0x500  }
0x4: {  	s18 =	simm.s32 $0x780;
	s19 =	simm.s32 $0xA00;
	s20 =	simm.s32 $0x1000  }
0x5: {  	s21 =	simm.s32 $0x1080;
	s22 =	simm.s32 $0xD80;
	s23 =	simm.s32 $0x0  }
0x6: {  	s3 =	sand.u32 $0x1, s1;
	s26 =	sshll.u32 s0, $0x1;
	s1 =	rddreg [dreg:$0x1]  }
0x7: {  	s28 =	sshll.u32 s0, $0x5;
	[smem:$0x7FF] =	sst s2;
	s4 =	sor.u32 s3, s26  }
0x8: {  	s7 =	sand.u32 $0x180, s28;
	_ =	strace $0x80000047;
	s12 =	sand.u32 $0x7, s4  }
0x9: {  	s3 =	ssub.s32 $0x2, s3;
	s29 =	sshrl.u32 s7, $0x3;
	s5 =	smul.u32 $0xA00, s12  }
0xa: {  	s30 =	smul.u32 $0x50, s4;
	s4 =	sshll.u32 s4, $0x3;
	s31 =	sshrl.u32 s3, $0x1  }
0xb: {  	s9 =	sadd.s32 s29, s6;
	s10 =	sadd.s32 s4, s6;
	s5 =	sor.u32 s7, s5  }
0xc: {  	s13 =	ssub.s32 s3, s31;
	s12 =	smul.u32 $0x280, s12;
	s5 =	sshrl.u32 s5, $0x3  }
0xd: {  	s11 =	sadd.s32 s30, s6;
	s7 =	sadd.s32 $0xE00, s9;
	s8 =	sadd.s32 s5, s6  }
0xe: {  	s9 =	sadd.s32 $0x3A00, s10;
	s3 =	sadd.s32 $0x2E00, s8;
	s4 =	sadd.s32 $0x2400, s8  }
0xf: {  	s5 =	sadd.s32 $0x1A00, s8;
	s6 =	sadd.s32 $0x1000, s8;
	s8 =	sadd.s32 $0x3800, s10  }
0x10: {  	v0 =	vimm.s32 $0xFFFFFFFF;
	v1 =	vlaneseq.u32;
	s10 =	sadd.s32 $0x3C00, s11;
	s11 =	smax.u32 s13, $0x1;
	s13 =	simm.s32 $0x80  }
.LBB2_1:
0x11: {  	[tilespmem:s2], [sflag:$0x1] =	stream.strided.gather [hbm4b:s3+s13], $0x280, s14, s13, $0x38;
	[tilespmem:$0x1100] =	vst v63  }
0x12: {  	_ =	swait.ge [sflag:s15], $0x280  }
0x13: {  	[sflag:s15] =	ssyncset.done $0x0  }
0x14: {  	[sflag:s15] =	ssyncadd.s32 $0xFFFFFD80  }
0x15: {  	[tilespmem:s16], [sflag:$0x1] =	stream.strided.gather [hbm4b:s4+s13], $0x280, s14, s13, $0x38;
	[tilespmem:$0x1100] =	vst v63  }
0x16: {  	_ =	swait.ge [sflag:s15], $0x280  }
0x17: {  	[sflag:s15] =	ssyncset.done $0x0  }
0x18: {  	[sflag:s15] =	ssyncadd.s32 $0xFFFFFD80  }
0x19: {  	[tilespmem:s17], [sflag:$0x1] =	stream.strided.gather [hbm4b:s5+s13], $0x280, s14, s13, $0x38;
	[tilespmem:$0x1100] =	vst v63  }
0x1a: {  	_ =	swait.ge [sflag:s15], $0x280  }
0x1b: {  	[sflag:s15] =	ssyncset.done $0x0  }
0x1c: {  	[sflag:s15] =	ssyncadd.s32 $0xFFFFFD80  }
0x1d: {  	[tilespmem:s18], [sflag:$0x1] =	stream.strided.gather [hbm4b:s6+s13], $0x280, s14, s13, $0x38;
	[tilespmem:$0x1100] =	vst v63  }
0x1e: {  	_ =	swait.ge [sflag:s15], $0x280  }
0x1f: {  	[sflag:s15] =	ssyncset.done $0x0  }
0x20: {  	[sflag:s15] =	ssyncadd.s32 $0xFFFFFD80  }
0x21: {  	[tilespmem:s19], [sflag:$0x1] =	stream.strided.gather [hbm4b:s7+s13], $0x100, s14, s13, $0x38;
	[tilespmem:$0x1100] =	vst v63  }
0x22: {  	_ =	swait.ge [sflag:s15], $0x100  }
0x23: {  	[sflag:s15] =	ssyncset.done $0x0  }
0x24: {  	s24 =	simm.s32 $0x0;
	[sflag:s15] =	ssyncadd.s32 $0xFFFFFF00  }
0x25: {  	v4 =	vld [tilespmem:s24+$0x500]  }
0x26: {  	v5 =	vld [tilespmem:s24+$0x0]  }
0x27: {  	v6 =	vld [tilespmem:s24+$0x780]  }
0x28: {  	v7 =	vld [tilespmem:s24+$0x280];
	_ =	sdelay $0x1  }
0x29: {  	s25 =	simm.s32 $0x10;
	[tilespmem:s24+$0xD80] =	vst v0  }
0x2a: {  	v2 =	vld [tilespmem:s25+$0x500]  }
0x2b: {  	v3 =	vld [tilespmem:s25+$0x0]  }
0x2c: {  	v8 =	vsub.f32 v4, v5;
	v6 =	vsub.f32 v6, v7;
	v4 =	vld [tilespmem:s25+$0x780]  }
0x2d: {  	v5 =	vld [tilespmem:s25+$0x280]  }
0x2e: {  	s26 =	simm.s32 $0x80;
	[tilespmem:s25+$0xD80] =	vst v0;
	v6 =	vmul.f32 v6, v8  }
.LBB2_2:
0x2f: {  	s28 =	sshra.s32 s26, $0x2;
	v7 =	vmov v2;
	p0 =	sne.s32 s26, $0x9C0  }
.Ltmp0:
0x30: {  	v2 =	vld [tilespmem:s28+$0x500];
	[tilespmem:s24+$0xB00] =	vst v6;
	v6 =	vmov v3;
	s24 =	smov.u32 s25;
	(pc) =	sbr.rel @p0 .LBB2_2-.Ltmp0, $4  }
0x31: {  	s25 =	smov.u32 s28;
	v3 =	vld [tilespmem:s28+$0x0];
	[tilespmem:s28+$0xD80] =	vst v0  }
0x32: {  	s26 =	sadd.s32 $0x40, s26;
	v6 =	vsub.f32 v7, v6;
	v7 =	vsub.f32 v4, v5;
	v4 =	vld [tilespmem:s25+$0x780]  }
0x33: {  	v5 =	vld [tilespmem:s25+$0x280]  }
0x34: {  	v6 =	vmul.f32 v7, v6  }
0x35: {  	_ =	sdelay $0x2  }
0x36: {  	v2 =	vsub.f32 v2, v3;
	v3 =	vsub.f32 v4, v5;
	_ =	sdelay $0x1  }
0x37: {  	v2 =	vmul.f32 v3, v2  }
0x38: {  	[tilespmem:s24+$0xB00] =	vst v6  }
0x39: {  	s24 =	simm.s32 $0x0;
	[tilespmem:s25+$0xB00] =	vst v2  }
.LBB2_4:
0x3a: {  	v2 =	vmov s24  }
0x3b: {  	v3 =	vor.u32 $0x40, v2  }
0x3c: {  	s25 =	simm.s32 $0x0;
	v5 =	vor.u32 $0x80, v2  }
0x3d: {  	v6 =	vor.u32 $0xC0, v2;
	v7 =	vld [tilespmem:s25+$0x500]  }
0x3e: {  	v9 =	vld [tilespmem:s25+$0x0]  }
0x3f: {  	v4 =	vld.idx.msk [tilespmem:v2+s19+$0x0], $0xffff  }
0x40: {  	v3 =	vld.idx.msk [tilespmem:v3+s19+$0x0], $0xffff  }
0x41: {  	v5 =	vld.idx.msk [tilespmem:v5+s19+$0x0], $0xffff  }
0x42: {  	v6 =	vld.idx.msk [tilespmem:v6+s19+$0x0], $0xffff  }
0x43: {  	v11 =	vld [tilespmem:s25+$0x780]  }
0x44: {  	v12 =	vld [tilespmem:s25+$0x280]  }
0x45: {  	s26 =	simm.s32 $0x10;
	v14 =	vld [tilespmem:s25+$0xB00]  }
0x46: {  	v15 =	vld [tilespmem:s26+$0x500]  }
0x47: {  	v18 =	vld [tilespmem:s26+$0x0];
	v10 =	vadd.f32 v5, v4;
	v8 =	vadd.f32 v6, v3  }
0x48: {  	v19 =	vld [tilespmem:s26+$0x780];
	v9 =	vmax.f32 v9, v4  }
0x49: {  	v20 =	vld [tilespmem:s26+$0x280];
	v12 =	vmax.f32 v12, v3;
	v7 =	vmin.f32 v7, v10;
	v11 =	vmin.f32 v11, v8  }
0x4a: {  	v7 =	vsub.f32 v7, v9;
	v11 =	vsub.f32 v11, v12  }
0x4b: {  	v9 =	vmul.f32 v6, v5  }
0x4c: {  	v13 =	vimm.f32 $1.000000000e+00;
	v5 =	vmax.f32 v7, $0.0e+00;
	v6 =	vmax.f32 v11, $0.0e+00  }
0x4d: {  	v16 =	vld [tilespmem:s26+$0xB00];
	v21 =	vmax.f32 v18, v4;
	v11 =	vadd.f32 v14, v9;
	v14 =	vmul.f32 v6, v5  }
0x4e: {  	s28 =	simm.s32 $0x20;
	v20 =	vmax.f32 v20, v3;
	v15 =	vmin.f32 v15, v10;
	v22 =	vmin.f32 v19, v8;
	v5 =	vld [tilespmem:s25+$0xD80]  }
0x4f: {  	v17 =	vld [tilespmem:s28+$0x500];
	v12 =	vimm.f32 $-1.000000000e+00;
	v21 =	vsub.f32 v15, v21;
	v11 =	vsub.f32 v11, v14  }
0x50: {  	v18 =	vld [tilespmem:s28+$0x0];
	v23 =	vsub.f32 v22, v20;
	v7 =	vor.u32 s12, v1;
	v15 =	vadd.f32 v14, v14  }
0x51: {  	s30 =	simm.s32 $0xC0;
	s29 =	smov.u32 s12;
	v19 =	vld [tilespmem:s28+$0x780];
	v6 =	vimm.s32 $0x0;
	v20 =	vmul.f32 v14, v13;
	v22 =	vmul.f32 v11, v12  }
.LBB2_5:
0x52: {  	p0 =	sne.s32 s30, $0x9C0;
	v24 =	vld [tilespmem:s28+$0x280];
	v21 =	vmax.f32 v21, $0.0e+00;
	v25 =	vadd.f32 v16, v9;
	vm0 =	vgt.f32 v15, v11  }
0x53: {  	v15 =	vmax.f32 v23, $0.0e+00;
	v5 =	vsel vm0, v2, v5;
	vm0 =	vgt.f32 v20, v22  }
.Ltmp1:
0x54: {  	s29 =	sadd.s32 $0x10, s29;
	v16 =	vld [tilespmem:s28+$0xB00];
	[tilespmem:s25+$0xD80] =	vst v5;
	v12 =	vsel vm0, v14, v12;
	v14 =	vmul.f32 v15, v21;
	v13 =	vsel vm0, v11, v13;
	s25 =	smov.u32 s26;
	(pc) =	sbr.rel @p0 .LBB2_5-.Ltmp1, $4  }
0x55: {  	v15 =	vmin.f32 v17, v10;
	v6 =	vsel vm0, v7, v6;
	v7 =	vor.u32 s29, v1;
	s26 =	smov.u32 s28;
	s28 =	sshra.s32 s30, $0x2;
	v5 =	vld [tilespmem:s25+$0xD80]  }
0x56: {  	v20 =	vmax.f32 v18, v4;
	v17 =	vld [tilespmem:s28+$0x500];
	v22 =	vmin.f32 v19, v8;
	v11 =	vsub.f32 v25, v14  }
0x57: {  	v21 =	vsub.f32 v15, v20;
	v15 =	vadd.f32 v14, v14;
	v18 =	vld [tilespmem:s28+$0x0];
	v20 =	vmax.f32 v24, v3  }
0x58: {  	s30 =	sadd.s32 $0x40, s30;
	v19 =	vld [tilespmem:s28+$0x780];
	v23 =	vsub.f32 v22, v20;
	v20 =	vmul.f32 v14, v13;
	v22 =	vmul.f32 v11, v12  }
0x59: {  	v24 =	vld [tilespmem:s28+$0x280];
	_ =	sdelay $0x2  }
0x5a: {  	v21 =	vmax.f32 v21, $0.0e+00;
	v23 =	vmax.f32 v23, $0.0e+00  }
0x5b: {  	v16 =	vadd.f32 v16, v9;
	v53 =	vld [tilespmem:s28+$0xB00];
	v21 =	vmul.f32 v23, v21;
	v10 =	vmin.f32 v17, v10  }
0x5c: {  	v4 =	vmax.f32 v18, v4;
	v8 =	vmin.f32 v19, v8;
	v3 =	vmax.f32 v24, v3  }
0x5d: {  	vm0 =	vgt.f32 v20, v22;
	v4 =	vsub.f32 v10, v4;
	v3 =	vsub.f32 v8, v3  }
0x5e: {  	v54 =	vsel vm0, v14, v12;
	v55 =	vsel vm0, v11, v13;
	v56 =	vsub.f32 v16, v21  }
0x5f: {  	v13 =	vmul.f32 v21, v55;
	v4 =	vmax.f32 v4, $0.0e+00;
	v3 =	vmax.f32 v3, $0.0e+00  }
0x60: {  	v57 =	vadd.f32 v53, v9;
	v14 =	vmul.f32 v56, v54;
	v3 =	vmul.f32 v3, v4;
	_ =	sdelay $0x1  }
0x61: {  	vm1 =	vgt.f32 v13, v14;
	v4 =	vsub.f32 v57, v3  }
0x62: {  	v8 =	vsel vm1, v21, v54;
	v58 =	vsel vm1, v56, v55  }
0x63: {  	v10 =	vmul.f32 v3, v58;
	v59 =	vmul.f32 v4, v8;
	_ =	sdelay $0x1  }
0x64: {  	vm2 =	vgt.f32 v10, v59  }
0x65: {  	v9 =	vsel vm2, v4, v58  }
0x66: {  	(erf) = vrcp.f32 v9;
	_ =	sdelay $0x8  }
0x67: {  	v8 =	vsel vm2, v3, v8;
	v9 =	vpop (erf)  }
0x68: {  	v8 =	vmul.f32 v9, v8;
	_ =	sdelay $0x1  }
0x69: {  	(xrf0) =	vmax.scan.msk.f32 $0xffff, v8;
	_ =	sdelay $0x4  }
0x6a: {  	s29 =	sadd.s32 $0x10, s29  }
0x6b: {  	v60 =	vor.u32 s29, v1;
	s29 =	sadd.s32 $0x10, s29;
	v6 =	vsel vm0, v7, v6;
	v61, _, _ =	vpop (xrf0)  }
0x6c: {  	v62 =	vor.u32 s29, v1;
	v6 =	vsel vm1, v60, v6;
	v9 =	vbroadcast v61, $0xF  }
0x6d: {  	v6 =	vsel vm2, v62, v6  }
0x6e: {  	v6 =	vxor.u32 $0x80000000, v6;
	vm12 =	veq.f32 v8, v9  }
0x6f: {  	v6 =	vnsel vm12, $0xC0000000, v6  }
0x70: {  	(xrf0) =	vmin.scan.msk.u32 $0xffff, v6;
	_ =	sdelay $0x5  }
0x71: {  	v6, _, _ =	vpop (xrf0)  }
0x72: {  	vm13 =	vgt.f32 v15, v11;
	(v2sf) =	vpush v6, $0xF  }
0x73: {  	v5 =	vsel vm13, v2, v5  }
0x74: {  	[tilespmem:s25+$0xD80] =	vst v5  }
0x75: {  	v5 =	vld [tilespmem:s26+$0xD80];
	_ =	sdelay $0x1  }
0x76: {  	v63 =	vadd.f32 v21, v21;
	_ =	sdelay $0x1  }
0x77: {  	vm14 =	vgt.f32 v63, v56  }
0x78: {  	v5 =	vsel vm14, v2, v5  }
0x79: {  	[tilespmem:s26+$0xD80] =	vst v5  }
0x7a: {  	v5 =	vld [tilespmem:s28+$0xD80];
	_ =	sdelay $0x1  }
0x7b: {  	s24 =	sadd.s32 $0x1, s24;
	v3 =	vadd.f32 v3, v3  }
0x7c: {  	p0 =	sne.s32 s24, $0x32  }
.Ltmp2:
0x7d: {  	vm15 =	vgt.f32 v3, v4;
	(pc) =	sbr.rel @p0 .LBB2_4-.Ltmp2, $4  }
0x7e: {  	v3 =	vsel vm15, v2, v5;
	s31 =	spop (v2sf)  }
0x7f: {  	[tilespmem:s28+$0xD80] =	vst v3;
	s25 =	sxor.u32 $0x80000000, s31  }
0x80: {  	[tilespmem:v2+s20+$0x0] =	vst.idx.msk $0x1, v9;
	v3 =	vmov s25  }
0x81: {  	[tilespmem:v2+s21+$0x0] =	vst.idx.msk $0x1, v3  }
0x82: {  	[hbm4b:s8+s2] =	stream.linear.scatter [tilespmem:s20], [sflag:$0x1], $0x40, $0x38;
	[tilespmem:$0x1100] =	vst v63  }
0x83: {  	_ =	swait.ge [sflag:s15], $0x40  }
0x84: {  	[sflag:s15] =	ssyncset.done $0x0  }
0x85: {  	[sflag:s15] =	ssyncadd.s32 $0xFFFFFFC0  }
0x86: {  	[hbm4b:s9+s2] =	stream.linear.scatter [tilespmem:s21], [sflag:$0x1], $0x40, $0x38;
	[tilespmem:$0x1100] =	vst v63  }
0x87: {  	s23 =	sadd.s32 $0x1, s23;
	_ =	swait.ge [sflag:s15], $0x40  }
0x88: {  	p0 =	sne.s32 s23, s11;
	[sflag:s15] =	ssyncset.done $0x0  }
.Ltmp3:
0x89: {  	[sflag:s15] =	ssyncadd.s32 $0xFFFFFFC0;
	(pc) =	sbr.rel @p0 .LBB2_1-.Ltmp3, $4  }
0x8a: {  	[hbm4b:s10+s2] =	stream.linear.scatter [tilespmem:s22], [sflag:$0x1], $0x280, $0x38;
	[tilespmem:$0x1100] =	vst v63  }
0x8b: {  	_ =	swait.ge [sflag:s15], $0x280  }
0x8c: {  	[sflag:s15] =	ssyncset.done $0x0  }
0x8d: {  	[sflag:s15] =	ssyncadd.s32 $0xFFFFFD80  }
0x8e: {  	_ =	sfence.sel $0x180000  }
0x8f: {  	[bflag:$0x0] =	sbarrier.arrive $0xFFFF  }
0x90: {  	p0 =	sne.s32 s0, $0x0;
	_ =	strace $0x90000047  }
0x91: {  	s0 =	sadd.s32 @!p0 $0x100000, s1;
	[bflag:$0x2] =	sbarrier.arrive $0xFFFF  }
0x92: {  	[sflag:s0] =	ssyncadd.tile.s32 @!p0 $0x1;
	_ =	shalt  }
.Lfunc_end2:
_tile_overlayer_lowered:
.L_overlay_start_2:
0x93: {  	(tag) =	ssettag $0x2  }
0x94: {  	s0 =	rddreg [dreg:$0x0];
	s2 =	stileid.u32  }
0x95: {  	s1 =	rddreg [dreg:$0x1];
	p0 =	sne.s32 s2, $0x0  }
0x96: {  	s3 =	rddreg [dreg:$0x2];
	[bflag:$0x3] =	sbarrier.arrive $0xFFFF;
	s2 =	simm.s32 @!p0 $0x1C01  }
0x97: {  	[timem:s3], [sflag:s2] =	dma.local @!p0 [hbm:s0], s1  }
0x98: {  	s0 =	simm.s32 @!p0 $0x1  }
0x99: {  	_ =	swait.ge @!p0 [sflag:s0], s1  }
0x9a: {  	s1 =	ssub.s32 @!p0 $0x0, s1;
	[sflag:s0] =	ssyncset.done @!p0 $0x0  }
0x9b: {  	[sflag:s0] =	ssyncadd.s32 @!p0 s1  }
0x9c: {  	[bflag:$0x3] =	sbarrier.arrive $0xFFFF  }
0x9d: {  	_ =	shalt  }

// kernel: kernel.8.cloned.1.call-start
scs
__scs_entry_jumppad:
0x0: {  	(pc) =	sbr.rel $0x88, $3  }
0x1: {  	(tag) =	ssettag $0x0;
	lr =	simm.s32 $0x1  }
0x2: {  	[smem:$0x3F9C] =	sst lr;
	_ =	strace $0xD0000000  }
0x3: {  	_ = 	snop  }
0x4: {  	_ = 	snop  }
0x5: {  	_ = 	snop  }
0x6: {  	_ = 	snop  }
0x7: {  	_ = 	snop  }
__scs_overlays_trampoline_lowered:
0x8: {  	[smem:$0x3FAB] =	sst s0  }
0x9: {  	[smem:$0x3FAC] =	sst s1  }
0xa: {  	[smem:$0x3FAD] =	sst s2  }
0xb: {  	[smem:$0x3FAE] =	sst s3  }
0xc: {  	[smem:$0x3FAF] =	sst s4  }
0xd: {  	[smem:$0x3FB0] =	sst s5  }
0xe: {  	[smem:$0x3FB1] =	sst s6  }
0xf: {  	[smem:$0x3FB2] =	sst s7  }
0x10: {  	[smem:$0x3FB3] =	sst s8  }
0x11: {  	[smem:$0x3FB4] =	sst s9;
	s0 =	simm.s32 @!p0 $0x0  }
0x12: {  	s1 =	sld [smem:$0x3F9A];
	s0 =	simm.s32 @p0 $0x1  }
0x13: {  	[smem:$0x3FB5] =	sst s0;
	s0 =	simm.s32 @!p1 $0x0  }
0x14: {  	s2 =	sld [smem:$0x3F99];
	s0 =	simm.s32 @p1 $0x1  }
0x15: {  	[smem:$0x3FB6] =	sst s0;
	s0 =	simm.s32 @!p2 $0x0  }
0x16: {  	s3 =	sld [smem:$0x3FDB];
	s0 =	simm.s32 @p2 $0x1  }
0x17: {  	s4 =	simm.s32 $0x1BF5;
	[smem:$0x3FB8] =	sst s0  }
0x18: {  	s0 =	sld [smem:$0x3F9B];
	_ =	swait.ge [sflag:s4], $0x0  }
0x19: {  	s7 =	sld [smem:$0x3F9C]  }
0x1a: {  	s8 =	sadd.s32 $0xFFFFE003, lr  }
0x1b: {  	s9 =	sadd.s32 $0xFFFFFEF7, lr;
	s5 =	simm.s32 $0xFFFFFFFF;
	p2 =	slt.u32 s8, $0xFFFFF086  }
0x1c: {  	p1 =	slt.u32 s9, $0xF7A;
	s5 =	simm.s32 @!p2 $0x0  }
0x1d: {  	s5 =	simm.s32 @p1 $0x1;
	p0 =	seq.s32 s7, s2  }
0x1e: {  	s7 =	smul.u32 @!p0 $0xF7A, s2;
	p2 =	seq.s32 @!p0 s5, $0x0  }
0x1f: {  	s9 =	smul.u32 $0xF7A, s1;
	s8 =	simm.s32 @!p0 $0x1BF5;
	p2 =	por !p2, p0  }
0x20: {  	[sflag:s8] =	ssyncset.s32 @!p0 $0xFFFFF086;
	s6 =	sadd.s32 @!p0 s3, s7;
	s7 =	simm.s32 @!p0 $0x108  }
0x21: {  	s3 =	sadd.s32 s3, s9;
	s6 =	sadd.s32 @!p0 $0x88, s6;
	s7 =	simm.s32 @p2 $0x1082  }
0x22: {  	[simem:s7], [sflag:s8] =	dma.local @!p0 [hbm:s6], $0xF7A  }
0x23: {  	s9 =	sor.u32 $0xD0000000, s2;
	s6 =	simm.s32 $0x108;
	_ =	swait.ge @!p0 [sflag:s8], $0x0  }
0x24: {  	s3 =	sadd.s32 $0x88, s3;
	s6 =	simm.s32 @!p1 $0x1082;
	[sflag:s4] =	ssyncset.s32 $0xFFFFF086  }
0x25: {  	[simem:s6], [sflag:s4] =	dma.local [hbm:s3], $0xF7A  }
0x26: {  	[smem:$0x3F9C] =	sst s1;
	(tag) =	ssettag s2;
	_ =	strace s9  }
0x27: {  	s1 =	sld [smem:$0x3FAC]  }
0x28: {  	s2 =	sld [smem:$0x3FAD]  }
0x29: {  	s4 =	sld [smem:$0x3FAF]  }
0x2a: {  	p0 =	seq.s32 s5, $0x0;
	s5 =	sld [smem:$0x3FB0]  }
0x2b: {  	s6 =	sld [smem:$0x3FB1]  }
0x2c: {  	s7 =	sld [smem:$0x3FB2]  }
0x2d: {  	s3 =	simm.s32 $0x108;
	s8 =	sld [smem:$0x3FB3]  }
0x2e: {  	s3 =	simm.s32 @!p0 $0x1082;
	s9 =	sld [smem:$0x3FB4]  }
0x2f: {  	lr =	sadd.s32 s0, s3;
	s0 =	sld [smem:$0x3FAB]  }
0x30: {  	s3 =	sld [smem:$0x3FAE]  }
0x31: {  	[smem:$0x3FB7] =	sst s10  }
0x32: {  	s10 =	sld [smem:$0x3FB5];
	_ =	sdelay $0x3  }
0x33: {  	p0 =	seq.s32 s10, $0x1;
	s10 =	sld [smem:$0x3FB7];
	_ =	sdelay $0x3  }
0x34: {  	[smem:$0x3FB7] =	sst s10  }
0x35: {  	s10 =	sld [smem:$0x3FB6];
	_ =	sdelay $0x3  }
0x36: {  	p1 =	seq.s32 s10, $0x1;
	s10 =	sld [smem:$0x3FB7];
	_ =	sdelay $0x3  }
0x37: {  	[smem:$0x3FB7] =	sst s10  }
0x38: {  	s10 =	sld [smem:$0x3FB8]  }
0x39: {  	_ = 	snop;
	(pc) =	sbr.ind lr, $3  }
0x3a: {  	_ = 	snop  }
0x3b: {  	_ = 	snop  }
0x3c: {  	p2 =	seq.s32 s10, $0x1;
	s10 =	sld [smem:$0x3FB7]  }
0x3d: {  	_ =	shalt  }
0x3e: {  	_ =	shalt  }
0x3f: {  	_ =	shalt  }
0x40: {  	_ =	shalt  }
0x41: {  	_ =	shalt  }
0x42: {  	_ =	shalt  }
0x43: {  	_ =	shalt  }
0x44: {  	_ =	shalt  }
0x45: {  	_ =	shalt  }
0x46: {  	_ =	shalt  }
0x47: {  	_ =	shalt  }
0x48: {  	_ =	shalt  }
0x49: {  	_ =	shalt  }
0x4a: {  	_ =	shalt  }
0x4b: {  	_ =	shalt  }
0x4c: {  	_ =	shalt  }
0x4d: {  	_ =	shalt  }
0x4e: {  	_ =	shalt  }
0x4f: {  	_ =	shalt  }
0x50: {  	_ =	shalt  }
0x51: {  	_ =	shalt  }
0x52: {  	_ =	shalt  }
0x53: {  	_ =	shalt  }
0x54: {  	_ =	shalt  }
0x55: {  	_ =	shalt  }
0x56: {  	_ =	shalt  }
0x57: {  	_ =	shalt  }
0x58: {  	_ =	shalt  }
0x59: {  	_ =	shalt  }
0x5a: {  	_ =	shalt  }
0x5b: {  	_ =	shalt  }
0x5c: {  	_ =	shalt  }
0x5d: {  	_ =	shalt  }
0x5e: {  	_ =	shalt  }
0x5f: {  	_ =	shalt  }
0x60: {  	_ =	shalt  }
0x61: {  	_ =	shalt  }
0x62: {  	_ =	shalt  }
0x63: {  	_ =	shalt  }
0x64: {  	_ =	shalt  }
0x65: {  	_ =	shalt  }
0x66: {  	_ =	shalt  }
0x67: {  	_ =	shalt  }
0x68: {  	_ =	shalt  }
0x69: {  	_ =	shalt  }
0x6a: {  	_ =	shalt  }
0x6b: {  	_ =	shalt  }
0x6c: {  	_ =	shalt  }
0x6d: {  	_ =	shalt  }
0x6e: {  	_ =	shalt  }
0x6f: {  	_ =	shalt  }
0x70: {  	_ =	shalt  }
0x71: {  	_ =	shalt  }
0x72: {  	_ =	shalt  }
0x73: {  	_ =	shalt  }
0x74: {  	_ =	shalt  }
0x75: {  	_ =	shalt  }
0x76: {  	_ =	shalt  }
0x77: {  	_ =	shalt  }
0x78: {  	_ =	shalt  }
0x79: {  	_ =	shalt  }
0x7a: {  	_ =	shalt  }
0x7b: {  	_ =	shalt  }
0x7c: {  	_ =	shalt  }
0x7d: {  	_ =	shalt  }
0x7e: {  	_ =	shalt  }
0x7f: {  	_ =	shalt  }
0x80: {  	_ =	shalt  }
0x81: {  	_ =	shalt  }
0x82: {  	_ =	shalt  }
0x83: {  	_ =	shalt  }
0x84: {  	_ =	shalt  }
0x85: {  	_ =	shalt  }
0x86: {  	_ =	shalt  }
0x87: {  	_ =	shalt  }
.Lfunc_end0:
.L_simem_size_0:
called_computation.1_lowered:
.L_overlay_start_0:
0x88: {  	s2 =	sld [smem:$0x3FD9]  }
0x89: {  	s3 =	sld [smem:$0x3FFE];
	_ =	sdelay $0x1  }
0x8a: {  	s1 =	srdreg.scid  }
0x8b: {  	s0 =	sand.u32 $0x1, s1  }
0x8c: {  	s16 =	sshll.u32 s0, $0xA;
	s2 =	sadd.s32 s3, s2  }
0x8d: {  	s2 =	sadd.s32 s2, s16  }
0x8e: {  	[smem:$0x3FC3] =	sst s2  }
0x8f: {  	_ = 	snop  }
0x90: {  	(tm) =	ssettm $0x1  }
0x91: {  	s17 =	sld [smem:$0x3FFB];
	_ =	sdelay $0x3  }
0x92: {  	_ =	strace s17  }
0x93: {  	s2 =	sld [smem:$0x3FFC];
	_ =	sdelay $0x3  }
0x94: {  	_ =	strace s2  }
0x95: {  	s2 =	sld [smem:$0x3FFD];
	_ =	sdelay $0x3  }
0x96: {  	_ =	strace s2  }
0x97: {  	_ =	strace $0x8FFFFFFF  }
0x98: {  	s18 =	sld [smem:$0x3FDB];
	_ =	sdelay $0x1  }
0x99: {  	s19 =	simm.s32 $_scs_section_size  }
0x9a: {  	s4 =	simm.s32 $_size__tile_overlayer_lowered;
	s5 =	simm.s32 $_tile_overlayer_lowered  }
0x9b: {  	s22 =	simm.s32 $0x1BFF;
	s21 =	sshll.u32 s5, $0x1;
	s2 =	sadd.s32 s19, s18  }
0x9c: {  	s6 =	simm.s32 $0x0;
	s20 =	sshll.u32 s4, $0x1;
	s4 =	sadd.s32 s21, s2  }
0x9d: {  	[timem:s6], [sflag:s22] =	dma.local [hbm:s4], s20  }
0x9e: {  	_ =	swait.ge [sflag:s22], s20  }
0x9f: {  	s3 =	ssub.s32 $0x0, s20;
	[sflag:s22] =	ssyncset.done $0x0  }
0xa0: {  	[sflag:s22] =	ssyncadd.s32 s3;
	_ =	sdelay $0x1  }
0xa1: {  	s23 =	simm.s32 $0x1B8B  }
0xa2: {  	_ =	swait.ge [sflag:s23], $0x1  }
0xa3: {  	[sflag:s23] =	ssyncset.done $0x0  }
0xa4: {  	s25 =	simm.s32 $0x1B8E;
	s24 =	sld [smem:$0x3FFE];
	[sflag:s23] =	ssyncadd.s32 $0xFFFFFFFF  }
0xa5: {  	s26 =	simm.s32 $execute0_lowered;
	[smem:$0x3FD2] =	sst s25  }
0xa6: {  	s4 =	sshll.u32 s26, $0x1;
	_ =	strace $0x80000049;
	[dreg:$0x1] =	wrdreg $0xFFFFFFFF  }
0xa7: {  	s28 =	simm.s32 $_size_execute0_lowered;
	s2 =	sadd.s32 s2, s4;
	[dreg:$0x0] =	wrdreg $0x0  }
0xa8: {  	s4 =	sshll.u32 s28, $0x1;
	[dreg:$0x2] =	wrdreg s2  }
0xa9: {  	[dreg:$0x3] =	wrdreg s4  }
0xaa: {  	[dreg:$0x4] =	wrdreg $0xC0  }
0xab: {  	_ =	task [dreg:s6], $0x5FFFF  }
0xac: {  	[dreg:$0x1] =	wrdreg $0xFFFFFFFF  }
0xad: {  	[dreg:$0x0] =	wrdreg $0x60  }
0xae: {  	[dreg:$0x2] =	wrdreg s24  }
0xaf: {  	[dreg:$0x3] =	wrdreg $0x9  }
0xb0: {  	_ =	task.clear_ibuf [dreg:s6], $0x4FFFF;
	_ =	strace $0x90000049  }
0xb1: {  	s29 =	simm.s32 $0x9;
	_ =	strace $0x8000004B  }
0xb2: {  	_ =	swait.ge [sflag:s29], $0x1  }
0xb3: {  	[sflag:s29] =	ssyncadd.s32 $0xFFFFFFFF  }
0xb4: {  	_ =	strace $0x9000004B  }
0xb5: {  	_ =	sfence  }
0xb6: {  	s30 =	sld [smem:$0x0];
	_ =	sdelay $0x2  }
0xb7: {  	s31 =	sshll.u32 s1, $0xD;
	s1 =	sshrl.u32 s1, $0x2  }
0xb8: {  	s3 =	sand.u32 $0x4000, s31;
	s1 =	sadd.s32 s1, s30  }
0xb9: {  	s0 =	sor.u32 s3, s0;
	s1 =	sshll.u32 s1, $0x11  }
0xba: {  	s0 =	sor.u32 s1, s0  }
0xbb: {  	s0 =	sadd.s32 $0x8F2B, s0  }
0xbc: {  	[sflag:s0] =	ssyncadd.remote.s32 $0x1  }
0xbd: {  	_ =	sfence.sel $0xFFFF  }
0xbe: {  	[dreg:$0x0] =	wrdreg $0xFFFFFFFF;
	(pc) =	sbr.abs _section_cstart, $3  }
0xbf: {  	[dreg:$0x1] =	wrdreg $0xFFFFFFFF  }
0xc0: {  	_ =	task.clear_ibuf [dreg:s6], $0x2FFFF;
	_ =	strace $0x9FFFFFFF  }
0xc1: {  	(tm) =	ssettm $0x7FFFFFFF  }
tec
execute0_lowered:
.L_overlay_start_1:
0x0: {  	(tag) =	ssettag $0x1  }
0x1: {  	s0 =	srdreg.scid  }
0x2: {  	s2 =	stileid.u32;
	s6 =	rddreg [dreg:$0x0]  }
0x3: {  	s20 =	simm.s32 $0x80;
	s21 =	simm.s32 $0x200;
	s22 =	simm.s32 $0x2  }
0x4: {  	s31 =	simm.s32 $0x1400;
	s30 =	simm.s32 $0x1;
	s28 =	simm.s32 $0x0  }
0x5: {  	s0 =	sand.u32 $0x1, s0;
	s1 =	sshll.u32 s2, $0x1;
	s5 =	sshrl.u32 s2, $0x2  }
0x6: {  	s2 =	simm.s32 $0x0;
	s8 =	sadd.s32 $0x3800, s6;
	s25 =	sadd.s32 $0x3A00, s6  }
0x7: {  	s1 =	sor.u32 s0, s1;
	s7 =	sshll.u32 s5, $0x7;
	[smem:$0x7FF] =	sst s2  }
0x8: {  	s23 =	sshll.u32 s5, $0x4;
	s0 =	ssub.s32 $0x2, s0;
	s29 =	sshll.u32 s5, $0x3  }
0x9: {  	s5 =	smul.u32 $0x1388, s5;
	s4 =	sand.u32 $0x7, s1;
	_ =	strace $0x8000004A  }
0xa: {  	s16 =	sadd.s32 s23, s6;
	s24 =	smul.u32 $0x50, s1;
	[dreg:$0x2] =	wrdreg s8  }
0xb: {  	[dreg:$0x3] =	wrdreg s25;
	s1 =	sshll.u32 s1, $0x4;
	s26 =	sshrl.u32 s0, $0x1  }
0xc: {  	v0 =	vimm.s32 $0xC0804000;
	s23 =	simm.s32 $0x1D80;
	s25 =	simm.s32 $0x2800;
	s3 =	smul.u32 $0xA00, s4  }
0xd: {  	vm0 =	vcmask $0xF00;
	v0 =	vunpack.c.0.s8.s32 v0;
	s1 =	sadd.s32 s1, s6;
	s0 =	ssub.s32 s0, s26;
	s15 =	sadd.s32 $0xE00, s16  }
0xe: {  	v4 =	vimm.s32 $0xFFFFFFFF;
	vm1 =	vmmov $0x1;
	v5 =	vimm.s32 $0x0;
	s16 =	sadd.s32 $0x38600, s16;
	s26 =	simm.s32 $0x2880;
	s17 =	sadd.s32 s24, s6  }
0xf: {  	v6 =	vimm.f32 $1.000000000e+00;
	v0 =	vand.u32 $0xFF, v0;
	v1 =	vmov s29;
	s18 =	sadd.s32 $0x38800, s1;
	s19 =	smax.u32 s0, $0x1;
	s3 =	sor.u32 s7, s3  }
0x10: {  	v0 =	vnsel vm0, $0x1C0, v0;
	vm0 =	vcmask $0x1310;
	v3 =	vshll.u32 v1, $0x6;
	s1 =	simm.s32 $0x1500;
	s0 =	simm.s32 $0x1580;
	s3 =	sshrl.u32 s3, $0x3  }
0x11: {  	v1 =	vlaneseq.u32;
	v2 =	vsel vm0, $0x100, v0;
	vm0 =	vcmask $0x1714;
	s17 =	sadd.s32 $0x3C00, s17;
	s14 =	sadd.s32 s3, s6;
	s3 =	sadd.s32 $0x6E00, s6  }
0x12: {  	v7 =	vmul.u32 $0xFFFFFFFF, v1;
	v2 =	vsel vm0, $0x140, v2;
	vm0 =	vcmask $0x1B18;
	s6 =	smul.u32 $0x280, s4;
	s7 =	sadd.s32 $0x2E00, s14;
	s8 =	sadd.s32 $0x2400, s14  }
0x13: {  	v0 =	vmov s5;
	v2 =	vsel vm0, $0x180, v2;
	vm0 =	vmmov $0xff;
	s9 =	sadd.s32 $0x1A00, s14;
	s10 =	sadd.s32 $0x1000, s14;
	s11 =	sadd.s32 $0x6400, s14  }
0x14: {  	v7 =	vadd.s32 $0x1388, v7;
	v2 =	vor.u32 v2, v3;
	s12 =	sadd.s32 $0x5A00, s14;
	s13 =	sadd.s32 $0x5000, s14;
	s14 =	sadd.s32 $0x4600, s14;
	v3 =	vmov s6  }
.LBB2_1:
0x15: {  	[tilespmem:s2], [sflag:$0x2] =	stream.strided.gather [hbm4b:s7+s20], $0x280, s21, s20, $0x38;
	[tilespmem:$0x3080] =	vst v63  }
0x16: {  	_ =	swait.ge [sflag:s22], $0x280  }
0x17: {  	[sflag:s22] =	ssyncset.done $0x0  }
0x18: {  	s4 =	simm.s32 $0x280;
	[sflag:s22] =	ssyncadd.s32 $0xFFFFFD80  }
0x19: {  	[tilespmem:s4], [sflag:$0x2] =	stream.strided.gather [hbm4b:s8+s20], $0x280, s21, s20, $0x38;
	[tilespmem:$0x3080] =	vst v63  }
0x1a: {  	_ =	swait.ge [sflag:s22], $0x280  }
0x1b: {  	[sflag:s22] =	ssyncset.done $0x0  }
0x1c: {  	s5 =	simm.s32 $0x500;
	[sflag:s22] =	ssyncadd.s32 $0xFFFFFD80  }
0x1d: {  	[tilespmem:s5], [sflag:$0x2] =	stream.strided.gather [hbm4b:s9+s20], $0x280, s21, s20, $0x38;
	[tilespmem:$0x3080] =	vst v63  }
0x1e: {  	_ =	swait.ge [sflag:s22], $0x280  }
0x1f: {  	[sflag:s22] =	ssyncset.done $0x0  }
0x20: {  	s24 =	simm.s32 $0x780;
	[sflag:s22] =	ssyncadd.s32 $0xFFFFFD80  }
0x21: {  	[tilespmem:s24], [sflag:$0x2] =	stream.strided.gather [hbm4b:s10+s20], $0x280, s21, s20, $0x38;
	[tilespmem:$0x3080] =	vst v63  }
0x22: {  	_ =	swait.ge [sflag:s22], $0x280  }
0x23: {  	[sflag:s22] =	ssyncset.done $0x0  }
0x24: {  	s29 =	simm.s32 $0xA00;
	[sflag:s22] =	ssyncadd.s32 $0xFFFFFD80  }
0x25: {  	[tilespmem:s29], [sflag:$0x2] =	stream.strided.gather [hbm4b:s11+s20], $0x280, s21, s20, $0x38;
	[tilespmem:$0x3080] =	vst v63  }
0x26: {  	_ =	swait.ge [sflag:s22], $0x280  }
0x27: {  	[sflag:s22] =	ssyncset.done $0x0  }
0x28: {  	s5 =	simm.s32 $0xC80;
	[sflag:s22] =	ssyncadd.s32 $0xFFFFFD80  }
0x29: {  	[tilespmem:s5], [sflag:$0x2] =	stream.strided.gather [hbm4b:s12+s20], $0x280, s21, s20, $0x38;
	[tilespmem:$0x3080] =	vst v63  }
0x2a: {  	_ =	swait.ge [sflag:s22], $0x280  }
0x2b: {  	[sflag:s22] =	ssyncset.done $0x0  }
0x2c: {  	s24 =	simm.s32 $0xF00;
	[sflag:s22] =	ssyncadd.s32 $0xFFFFFD80  }
0x2d: {  	[tilespmem:s24], [sflag:$0x2] =	stream.strided.gather [hbm4b:s13+s20], $0x280, s21, s20, $0x38;
	[tilespmem:$0x3080] =	vst v63  }
0x2e: {  	_ =	swait.ge [sflag:s22], $0x280  }
0x2f: {  	[sflag:s22] =	ssyncset.done $0x0  }
0x30: {  	s29 =	simm.s32 $0x1180;
	[sflag:s22] =	ssyncadd.s32 $0xFFFFFD80  }
0x31: {  	[tilespmem:s29], [sflag:$0x2] =	stream.strided.gather [hbm4b:s14+s20], $0x280, s21, s20, $0x38;
	[tilespmem:$0x3080] =	vst v63  }
0x32: {  	_ =	swait.ge [sflag:s22], $0x280  }
0x33: {  	[sflag:s22] =	ssyncset.done $0x0  }
0x34: {  	[sflag:s22] =	ssyncadd.s32 $0xFFFFFD80  }
0x35: {  	[tilespmem:s31], [sflag:$0x2] =	stream.strided.gather [hbm4b:s15+s20], $0x100, s21, s20, $0x38;
	[tilespmem:$0x3080] =	vst v63  }
0x36: {  	_ =	swait.ge [sflag:s22], $0x100  }
0x37: {  	[sflag:s22] =	ssyncset.done $0x0  }
0x38: {  	[sflag:s22] =	ssyncadd.s32 $0xFFFFFF00  }
0x39: {  	[tilespmem:s1], [sflag:$0x2] =	stream.linear.gather [hbm4b:s16+s2], $0x80, $0x38;
	[tilespmem:$0x3080] =	vst v63  }
0x3a: {  	_ =	swait.ge [sflag:s22], $0x80  }
0x3b: {  	[sflag:s22] =	ssyncset.done $0x0  }
0x3c: {  	s5 =	rddreg [dreg:$0x2];
	[sflag:s22] =	ssyncadd.s32 $0xFFFFFF80  }
0x3d: {  	[tilespmem:s0], [sflag:$0x2] =	stream.linear.gather [hbm4b:s5+s2], $0x800, $0x38;
	[tilespmem:$0x3080] =	vst v63  }
0x3e: {  	_ =	swait.ge [sflag:s22], $0x800  }
0x3f: {  	[sflag:s22] =	ssyncset.done $0x0  }
0x40: {  	s24 =	rddreg [dreg:$0x3];
	[sflag:s22] =	ssyncadd.s32 $0xFFFFF800  }
0x41: {  	[tilespmem:s23], [sflag:$0x2] =	stream.linear.gather [hbm4b:s24+s2], $0x800, $0x38;
	[tilespmem:$0x3080] =	vst v63  }
0x42: {  	_ =	swait.ge [sflag:s22], $0x800  }
0x43: {  	[sflag:s22] =	ssyncset.done $0x0  }
0x44: {  	v8 =	vadd.s32 s2, v2;
	s29 =	simm.s32 $0x2580;
	[sflag:s22] =	ssyncadd.s32 $0xFFFFF800  }
0x45: {  	[tilespmem:s29], [sflag:$0x2] =	stream.linear.gather [hbm4b:s17+s2], $0x280, $0x38;
	[tilespmem:$0x3080] =	vst v63  }
0x46: {  	_ =	swait.ge [sflag:s22], $0x280  }
0x47: {  	[sflag:s22] =	ssyncset.done $0x0  }
0x48: {  	[sflag:s22] =	ssyncadd.s32 $0xFFFFFD80  }
0x49: {  	v9 =	vld.idx.msk [tilespmem:v8+s0+$0x0], $0xffff;
	_ =	sdelay $0x4  }
0x4a: {  	v9 =	vnsel vm0, $0xC0000000, v9  }
0x4b: {  	(xrf0) =	vmax.scan.msk.f32 $0xffff, v9;
	_ =	sdelay $0x3  }
0x4c: {  	v8 =	vld.idx.msk [tilespmem:v8+s23+$0x0], $0xffff;
	_ =	sdelay $0x1  }
0x4d: {  	v10, _, _ =	vpop (xrf0)  }
0x4e: {  	v10 =	vbroadcast v10, $0xF;
	_ =	sdelay $0x1  }
0x4f: {  	v8 =	vxor.u32 $0x80000000, v8;
	vm2 =	veq.f32 v9, v10  }
0x50: {  	v8 =	vnsel vm2, $0xC0000000, v8  }
0x51: {  	(xrf0) =	vmin.scan.msk.u32 $0xffff, v8;
	_ =	sdelay $0x5  }
0x52: {  	v8, _, _ =	vpop (xrf0)  }
0x53: {  	(v2sf) =	vpush v8, $0xF;
	_ =	sdelay $0xc  }
0x54: {  	s4 =	simm.s32 $0x1;
	v9 =	vmov s2  }
0x55: {  	s5 =	simm.s32 $0x2;
	v8 =	vadd.s32 s4, v2  }
.LBB2_2:
0x56: {  	p0 =	sne.s32 s5, $0x31;
	s24 =	spop (v2sf)  }
0x57: {  	s24 =	sxor.u32 $0x80000000, s24  }
0x58: {  	v10 =	vmov s24  }
0x59: {  	[tilespmem:v9+s25+$0x0] =	vst.idx.msk $0x1, v10  }
0x5a: {  	v9 =	vld.idx.msk [tilespmem:v8+s0+$0x0], $0xffff;
	_ =	sdelay $0x5  }
0x5b: {  	v9 =	vnsel vm0, $0xC0000000, v9  }
0x5c: {  	(xrf0) =	vmax.scan.msk.f32 $0xffff, v9;
	_ =	sdelay $0x2  }
0x5d: {  	v8 =	vld.idx.msk [tilespmem:v8+s23+$0x0], $0xffff;
	_ =	sdelay $0x2  }
0x5e: {  	v10, _, _ =	vpop (xrf0)  }
0x5f: {  	v10 =	vbroadcast v10, $0xF;
	_ =	sdelay $0x1  }
0x60: {  	v8 =	vxor.u32 $0x80000000, v8;
	vm2 =	veq.f32 v9, v10  }
0x61: {  	v8 =	vnsel vm2, $0xC0000000, v8  }
0x62: {  	(xrf0) =	vmin.scan.msk.u32 $0xffff, v8;
	_ =	sdelay $0x5  }
0x63: {  	v8, _, _ =	vpop (xrf0)  }
0x64: {  	(v2sf) =	vpush v8, $0xF;
	_ =	sdelay $0x9  }
.Ltmp0:
0x65: {  	(pc) =	sbr.rel @p0 .LBB2_2-.Ltmp0, $3  }
0x66: {  	_ =	sdelay $0x1  }
0x67: {  	v9 =	vmov s4;
	s4 =	smov.u32 s5  }
0x68: {  	s5 =	sadd.s32 $0x1, s5;
	v8 =	vadd.s32 s4, v2  }
0x69: {  	_ = 	snop  }
0x6a: {  	s5 =	spop (v2sf)  }
0x6b: {  	s5 =	sxor.u32 $0x80000000, s5  }
0x6c: {  	v10 =	vmov s5  }
0x6d: {  	[tilespmem:v9+s25+$0x0] =	vst.idx.msk $0x1, v10  }
0x6e: {  	v9 =	vld.idx.msk [tilespmem:v8+s0+$0x0], $0xffff;
	_ =	sdelay $0x4  }
0x6f: {  	v9 =	vnsel vm0, $0xC0000000, v9  }
0x70: {  	(xrf0) =	vmax.scan.msk.f32 $0xffff, v9;
	_ =	sdelay $0x3  }
0x71: {  	v8 =	vld.idx.msk [tilespmem:v8+s23+$0x0], $0xffff;
	_ =	sdelay $0x1  }
0x72: {  	v62, _, _ =	vpop (xrf0)  }
0x73: {  	v10 =	vbroadcast v62, $0xF;
	_ =	sdelay $0x1  }
0x74: {  	v8 =	vxor.u32 $0x80000000, v8;
	vm2 =	veq.f32 v9, v10  }
0x75: {  	v8 =	vnsel vm2, $0xC0000000, v8  }
0x76: {  	(xrf0) =	vmin.scan.msk.u32 $0xffff, v8;
	_ =	sdelay $0x5  }
0x77: {  	v8, _, _ =	vpop (xrf0)  }
0x78: {  	(v2sf) =	vpush v8, $0xF;
	_ =	sdelay $0xc  }
0x79: {  	v8 =	vmov s4;
	_ =	sdelay $0x1  }
0x7a: {  	s29 =	spop (v2sf)  }
0x7b: {  	s4 =	sxor.u32 $0x80000000, s29  }
0x7c: {  	v63 =	vmov s4  }
0x7d: {  	[tilespmem:v8+s25+$0x0] =	vst.idx.msk $0x1, v63  }
0x7e: {  	[tilespmem:$0x2880] =	vst v4  }
0x7f: {  	[tilespmem:$0x2890] =	vst v4  }
0x80: {  	[tilespmem:$0x28A0] =	vst v4  }
0x81: {  	[tilespmem:$0x28B0] =	vst v4  }
0x82: {  	[tilespmem:$0x28C0] =	vst v4  }
0x83: {  	[tilespmem:$0x28D0] =	vst v4  }
0x84: {  	[tilespmem:$0x28E0] =	vst v4  }
0x85: {  	[tilespmem:$0x28F0] =	vst v4  }
0x86: {  	[tilespmem:$0x2900] =	vst v4  }
0x87: {  	[tilespmem:$0x2910] =	vst v4  }
0x88: {  	[tilespmem:$0x2920] =	vst v4  }
0x89: {  	[tilespmem:$0x2930] =	vst v4  }
0x8a: {  	[tilespmem:$0x2940] =	vst v4  }
0x8b: {  	[tilespmem:$0x2950] =	vst v4  }
0x8c: {  	[tilespmem:$0x2960] =	vst v4  }
0x8d: {  	[tilespmem:$0x2970] =	vst v4  }
0x8e: {  	[tilespmem:$0x2980] =	vst v4  }
0x8f: {  	[tilespmem:$0x2990] =	vst v4  }
0x90: {  	[tilespmem:$0x29A0] =	vst v4  }
0x91: {  	[tilespmem:$0x29B0] =	vst v4  }
0x92: {  	[tilespmem:$0x29C0] =	vst v4  }
0x93: {  	[tilespmem:$0x29D0] =	vst v4  }
0x94: {  	[tilespmem:$0x29E0] =	vst v4  }
0x95: {  	[tilespmem:$0x29F0] =	vst v4  }
0x96: {  	[tilespmem:$0x2A00] =	vst v4  }
0x97: {  	[tilespmem:$0x2A10] =	vst v4  }
0x98: {  	[tilespmem:$0x2A20] =	vst v4  }
0x99: {  	[tilespmem:$0x2A30] =	vst v4  }
0x9a: {  	[tilespmem:$0x2A40] =	vst v4  }
0x9b: {  	[tilespmem:$0x2A50] =	vst v4  }
0x9c: {  	[tilespmem:$0x2A60] =	vst v4  }
0x9d: {  	[tilespmem:$0x2A70] =	vst v4  }
0x9e: {  	[tilespmem:$0x2A80] =	vst v4  }
0x9f: {  	[tilespmem:$0x2A90] =	vst v4  }
0xa0: {  	[tilespmem:$0x2AA0] =	vst v4  }
0xa1: {  	[tilespmem:$0x2AB0] =	vst v4  }
0xa2: {  	[tilespmem:$0x2AC0] =	vst v4  }
0xa3: {  	[tilespmem:$0x2AD0] =	vst v4  }
0xa4: {  	[tilespmem:$0x2AE0] =	vst v4  }
0xa5: {  	s4 =	simm.s32 $0x0;
	[tilespmem:$0x2AF0] =	vst v4  }
.LBB2_4:
0xa6: {  	v8 =	vmov s4;
	_ =	sdelay $0x4  }
0xa7: {  	v9 =	vld.idx.msk [tilespmem:v8+s25+$0x0], $0xffff;
	_ =	sdelay $0x4  }
0xa8: {  	v9 =	vsub.s32 v9, v3  }
0xa9: {  	vm2 =	vlt.u32 v9, $0x280;
	vm3 =	vgt.s32 v9, $0x0  }
0xaa: {  	v9 =	vnsel vm3, $0x0, v9;
	vm2 =	vmand vm2, vm1  }
0xab: {  	p0 =	sne.s32 s4, $0x31;
	v9 =	vmin.u32 v9, $0x27F  }
.Ltmp1:
0xac: {  	_ = 	snop;
	(pc) =	sbr.rel @p0 .LBB2_4-.Ltmp1, $2  }
0xad: {  	_ =	sdelay $0x2  }
0xae: {  	s4 =	sadd.s32 $0x1, s4;
	[tilespmem:v9+s26+$0x0] =	vst.idx.msk vm2, v8  }
0xaf: {  	s4 =	simm.s32 $0x0  }
0xb0: {  	v8 =	vld [tilespmem:s4+$0x2580]  }
0xb1: {  	v9 =	vld [tilespmem:s4+$0x2880];
	_ =	sdelay $0x3  }
0xb2: {  	vm2 =	vlt.s32 v8, $0x0  }
0xb3: {  	v8 =	vsel vm2, v9, v8  }
0xb4: {  	vm2 =	vgt.s32 v8, $0x0  }
0xb5: {  	v10 =	vnsel vm2, $0x0, v8  }
0xb6: {  	v10 =	vmin.u32 v10, $0x31  }
0xb7: {  	v13 =	vld [tilespmem:s4+$0x0]  }
0xb8: {  	v9 =	vld [tilespmem:s4+$0x500]  }
0xb9: {  	v11 =	vld [tilespmem:s4+$0x780]  }
0xba: {  	v12 =	vld [tilespmem:s4+$0x280]  }
0xbb: {  	v14 =	vld.idx.msk [tilespmem:v10+s1+$0x0], $0xffff  }
0xbc: {  	v15 =	vor.u32 s6, v1  }
0xbd: {  	v18 =	vadd.s32 v0, v15;
	v17 =	vsub.f32 v9, v13  }
0xbe: {  	vm3 =	vgt.s32 v8, $0xFFFFFFFF;
	vm2 =	vlt.u32 v15, $0x1388;
	v15 =	vmul.u32 $0x51, v18  }
0xbf: {  	vm3 =	vmand vm2, vm3;
	v8 =	vor.u32 $0x80, v10;
	(erf) = vrcp.f32 v17  }
0xc0: {  	v16 =	vsub.f32 v11, v12;
	v14 =	vnsel vm3, $0x0, v14  }
0xc1: {  	v15 =	vadd.s32 v15, v14  }
0xc2: {  	v17 =	vor.u32 $0xC0, v10;
	(erf) = vrcp.f32 v16;
	v15 =	vnsel vm2, $0x0, v15  }
0xc3: {  	[tilespmem:s4+$0x2B00] =	vst v15  }
0xc4: {  	v8 =	vld.idx.msk [tilespmem:v8+s31+$0x0], $0xffff;
	_ =	sdelay $0x2  }
0xc5: {  	v15 =	vld.idx.msk [tilespmem:v17+s31+$0x0], $0xffff  }
0xc6: {  	v16 =	vpop (erf)  }
0xc7: {  	v17 =	vmul.f32 v16, v8;
	_ =	sdelay $0x1  }
0xc8: {  	v18 =	vpop (erf);
	v21 =	vld.idx.msk [tilespmem:v10+s31+$0x0], $0xffff;
	v20 =	vand.u32 $0x7FFFFF, v17  }
0xc9: {  	v19 =	vmul.f32 v18, v15;
	v20 =	vor.u32 $0x3F800000, v20  }
0xca: {  	v11 =	vadd.f32 v11, v12;
	v9 =	vadd.f32 v9, v13;
	v24 =	vmul.f32 $5.000000000e-01, v20  }
0xcb: {  	v8 =	vmul.f32 $5.000000000e-01, v8;
	v23 =	vand.u32 $0x7FFFFF, v19;
	vm2 =	vgt.f32 v20, $1.414213540e+00  }
0xcc: {  	v9 =	vmul.f32 $5.000000000e-01, v9;
	v13 =	vor.u32 $0x3F800000, v23;
	v20 =	vsel vm2, v24, v20  }
0xcd: {  	v8 =	vadd.f32 v8, v21;
	v23 =	vmul.f32 $5.000000000e-01, v13;
	v12 =	vadd.f32 $1.000000000e+00, v20  }
0xce: {  	s29 =	simm.s32 $0x10;
	vm3 =	vgt.f32 v13, $1.414213540e+00  }
0xcf: {  	v8 =	vsub.f32 v8, v9;
	v9 =	vld [tilespmem:s29+$0x280];
	v13 =	vsel vm3, v23, v13;
	(erf) = vrcp.f32 v12  }
0xd0: {  	v22 =	vimm.f32 $0.0e+00;
	v24 =	vld [tilespmem:s4+$0xA00];
	v25 =	vadd.f32 $1.000000000e+00, v13  }
0xd1: {  	v11 =	vmul.f32 $5.000000000e-01, v11;
	v12 =	vshrl.u32 v17, $0x17;
	v17 =	vshrl.u32 v19, $0x17;
	v19 =	vld [tilespmem:s29+$0x2580]  }
0xd2: {  	v10 =	vor.u32 $0x40, v10;
	v8 =	vmul.f32 v8, v16;
	v16 =	vld [tilespmem:s29+$0x2880];
	(erf) = vrcp.f32 v25  }
0xd3: {  	v26 =	vsel vm2, $0x1, v5;
	v23 =	vld [tilespmem:s29+$0x780];
	v17 =	vand.u32 $0xFF, v17;
	v25 =	vsel vm3, $0x1, v5  }
0xd4: {  	v21 =	vld [tilespmem:s29+$0x500];
	vm2 =	veq.s32 v14, $0x0;
	v13 =	vadd.f32 $-1.000000000e+00, v13;
	v17 =	vadd.s32 v25, v17  }
0xd5: {  	v12 =	vand.u32 $0xFF, v12;
	v25 =	vld [tilespmem:s29+$0x0];
	v8 =	vsub.f32 v24, v8;
	v17 =	vadd.s32 $0xFFFFFF81, v17  }
0xd6: {  	v12 =	vadd.s32 v26, v12;
	v14 =	vcvt.s32.f32 v17;
	vm3 =	vlt.s32 v19, $0x0  }
0xd7: {  	v17 =	vmul.f32 $5.000000000e-01, v8;
	v16 =	vsel vm3, v16, v19;
	v19 =	vadd.f32 $-1.000000000e+00, v20  }
0xd8: {  	v24 =	vsub.f32 v23, v9;
	v9 =	vadd.f32 v23, v9;
	v26 =	vand.u32 $0x7FFFFFFF, v8;
	v28 =	vpop (erf)  }
0xd9: {  	v27 =	vadd.f32 $-5.000000000e-01, v26;
	v8 =	vmul.f32 v17, v8;
	v19 =	vmul.f32 v28, v19  }
0xda: {  	v10 =	vld.idx.msk [tilespmem:v10+s31+$0x0], $0xffff;
	v20 =	vsub.f32 v21, v25;
	vm3 =	vgt.s32 v16, $0x0;
	v21 =	vadd.f32 v21, v25  }
0xdb: {  	v17 =	vnsel vm3, $0x0, v16;
	vm3 =	vlt.f32 v26, $1.000000000e+00;
	v25 =	vpop (erf);
	v26 =	vmul.f32 v19, v19  }
0xdc: {  	v12 =	vadd.s32 $0xFFFFFF81, v12;
	v17 =	vmin.u32 v17, $0x31;
	v25 =	vmul.f32 v25, v13  }
0xdd: {  	vm4 =	vgt.s32 v16, $0xFFFFFFFF;
	v13 =	vmul.f32 $5.000000000e-01, v15;
	v28 =	vmul.f32 $1.111111120e-01, v26  }
0xde: {  	v8 =	vsel vm3, v8, v27;
	(erf) = vrcp.f32 v20;
	v29 =	vmul.f32 v25, v25  }
0xdf: {  	v8 =	vsel vm2, $0x0, v8;
	v10 =	vadd.f32 v13, v10;
	v13 =	vadd.f32 $1.428571490e-01, v28  }
0xe0: {  	v23 =	vor.u32 $0xC0, v17;
	v30 =	vadd.f32 v8, v22;
	v28 =	vmul.f32 $1.111111120e-01, v29  }
0xe1: {  	s24 =	sadd.s32 $0x10, s6;
	v8 =	vsel vm2, $0x0, v6;
	v31 =	vld.idx.msk [tilespmem:v17+s1+$0x0], $0xffff;
	v10 =	vsub.f32 v10, v11;
	v11 =	vmul.f32 v13, v26  }
0xe2: {  	v15 =	vor.u32 s24, v1;
	v8 =	vadd.f32 v8, v22;
	v22 =	vld [tilespmem:s4+$0xC80];
	v13 =	vadd.f32 $1.428571490e-01, v28  }
0xe3: {  	vm3 =	vlt.u32 v15, $0x1388;
	v15 =	vadd.s32 v0, v15;
	v11 =	vadd.f32 $2.000000030e-01, v11  }
0xe4: {  	(erf) = vrcp.f32 v24;
	v15 =	vmul.u32 $0x51, v15;
	v16 =	vmul.f32 v13, v29  }
0xe5: {  	vm4 =	vmand vm3, vm4;
	v10 =	vmul.f32 v10, v18;
	v11 =	vmul.f32 v11, v26  }
0xe6: {  	v18 =	vor.u32 $0x80, v17;
	v13 =	vnsel vm4, $0x0, v31;
	v16 =	vadd.f32 $2.000000030e-01, v16  }
0xe7: {  	v10 =	vsub.f32 v22, v10;
	v15 =	vadd.s32 v15, v13;
	v11 =	vadd.f32 $3.333333430e-01, v11  }
0xe8: {  	v12 =	vcvt.s32.f32 v12;
	v15 =	vnsel vm3, $0x0, v15;
	v16 =	vmul.f32 v16, v29  }
0xe9: {  	v20 =	vand.u32 $0x7FFFFFFF, v10;
	v22 =	vmul.f32 $5.000000000e-01, v10;
	[tilespmem:s29+$0x2B00] =	vst v15;
	v15 =	vmul.f32 v11, v26  }
0xea: {  	v12 =	vmul.f32 $6.931471820e-01, v12;
	v24 =	vadd.f32 $-5.000000000e-01, v20;
	v16 =	vadd.f32 $3.333333430e-01, v16  }
0xeb: {  	vm3 =	vlt.f32 v20, $1.000000000e+00;
	v20 =	vmul.f32 v22, v10;
	v18 =	vld.idx.msk [tilespmem:v18+s31+$0x0], $0xffff;
	v15 =	vadd.f32 $1.000000000e+00, v15  }
0xec: {  	v27 =	vor.u32 $0x40, v17;
	v19 =	vadd.f32 v19, v19;
	v11 =	vld.idx.msk [tilespmem:v23+s31+$0x0], $0xffff;
	v16 =	vmul.f32 v16, v29  }
0xed: {  	vm2 =	vmmov vm2;
	v10 =	vmul.f32 $5.000000000e-01, v9;
	v22 =	vld [tilespmem:s4+$0xF00];
	v9 =	vsel vm3, v20, v24  }
0xee: {  	v20 =	vld.idx.msk [tilespmem:v17+s31+$0x0], $0xffff;
	v17 =	vmul.f32 v15, v19;
	v19 =	vadd.f32 v25, v25;
	v16 =	vadd.f32 $1.000000000e+00, v16  }
0xef: {  	v21 =	vmul.f32 $5.000000000e-01, v21;
	v23 =	vmul.f32 $6.931471820e-01, v14;
	v14 =	vsel vm2, $0x0, v9;
	v15 =	vpop (erf)  }
0xf0: {  	v12 =	vadd.f32 v17, v12;
	v16 =	vmul.f32 v16, v19;
	v9 =	vpop (erf);
	v24 =	vmul.f32 v15, v18  }
0xf1: {  	v14 =	vadd.f32 v14, v30;
	v18 =	vmul.f32 $5.000000000e-01, v18;
	v26 =	vmul.f32 v9, v11  }
0xf2: {  	v17 =	vsub.f32 v22, v12;
	v19 =	vshrl.u32 v24, $0x17;
	v24 =	vand.u32 $0x7FFFFF, v24  }
0xf3: {  	v20 =	vadd.f32 v18, v20;
	v25 =	vor.u32 $0x3F800000, v24;
	v12 =	vand.u32 $0x7FFFFF, v26  }
0xf4: {  	v18 =	vand.u32 $0xFF, v19;
	v19 =	vadd.f32 v16, v23;
	v22 =	vmul.f32 $5.000000000e-01, v17  }
0xf5: {  	v26 =	vshrl.u32 v26, $0x17;
	v28 =	vmul.f32 $5.000000000e-01, v25;
	v23 =	vor.u32 $0x3F800000, v12  }
0xf6: {  	vm3 =	vgt.f32 v25, $1.414213540e+00;
	v24 =	vsub.f32 v20, v21;
	v21 =	vld [tilespmem:s4+$0x1180];
	v20 =	vmul.f32 $5.000000000e-01, v23  }
0xf7: {  	v12 =	vld.idx.msk [tilespmem:v27+s31+$0x0], $0xffff;
	v26 =	vand.u32 $0xFF, v26;
	vm4 =	vgt.f32 v23, $1.414213540e+00;
	v16 =	vsel vm3, v28, v25  }
0xf8: {  	s4 =	simm.s32 $0x80;
	v25 =	vadd.f32 $1.000000000e+00, v16;
	v27 =	vsel vm4, v20, v23;
	v23 =	vld [tilespmem:s29+$0xA00];
	v20 =	vand.u32 $0x7FFFFFFF, v17  }
.LBB2_6:
0xf9: {  	s5 =	sshra.s32 s4, $0x2;
	p0 =	sne.s32 s4, $0x9C0;
	s4 =	sadd.s32 $0x40, s4;
	v28 =	vsel vm3, $0x1, v5;
	v29 =	vsel vm4, $0x1, v5;
	v30 =	vadd.f32 $-1.000000000e+00, v27  }
0xfa: {  	v15 =	vmul.f32 v24, v15;
	v17 =	vmul.f32 v22, v17;
	v31 =	vld [tilespmem:s5+$0x500];
	v24 =	vadd.s32 v29, v26  }
0xfb: {  	vm3 =	veq.s32 v13, $0x0;
	v18 =	vadd.s32 v28, v18;
	v22 =	vld [tilespmem:s5+$0x780];
	v13 =	vsub.f32 v21, v19  }
0xfc: {  	v21 =	vadd.f32 $1.000000000e+00, v27;
	v19 =	vld [tilespmem:s5+$0x280];
	(erf) = vrcp.f32 v25;
	v25 =	vadd.f32 $-5.000000000e-01, v20  }
0xfd: {  	v18 =	vadd.s32 $0xFFFFFF81, v18;
	v26 =	vld [tilespmem:s5+$0x0];
	v15 =	vsub.f32 v23, v15;
	v23 =	vmul.f32 $5.000000000e-01, v13  }
0xfe: {  	vm4 =	vlt.f32 v20, $1.000000000e+00;
	v20 =	vand.u32 $0x7FFFFFFF, v13;
	v27 =	vld [tilespmem:s5+$0x2580];
	(erf) = vrcp.f32 v21  }
0xff: {  	v24 =	vadd.s32 $0xFFFFFF81, v24;
	vm5 =	vlt.f32 v20, $1.000000000e+00;
	v21 =	vld [tilespmem:s5+$0x2880];
	v13 =	vmul.f32 v23, v13  }
0x100: {  	v17 =	vsel vm4, v17, v25;
	v23 =	vcvt.s32.f32 v24;
	v24 =	vmul.f32 $5.000000000e-01, v15  }
0x101: {  	v20 =	vadd.f32 $-5.000000000e-01, v20;
	v28 =	vand.u32 $0x7FFFFFFF, v15;
	v25 =	vsub.f32 v22, v19  }
0x102: {  	vm4 =	vlt.f32 v28, $1.000000000e+00;
	v28 =	vadd.f32 $-5.000000000e-01, v28;
	v29 =	vsub.f32 v31, v26  }
0x103: {  	v26 =	vadd.f32 v31, v26;
	v31 =	vsel vm2, $0x0, v17;
	vm6 =	vlt.s32 v27, $0x0  }
0x104: {  	v16 =	vadd.f32 $-1.000000000e+00, v16;
	v14 =	vadd.f32 v31, v14;
	v21 =	vsel vm6, v21, v27  }
0x105: {  	v15 =	vmul.f32 v24, v15;
	v13 =	vsel vm5, v13, v20;
	vm6 =	vgt.s32 v21, $0x0;
	v17 =	vpop (erf)  }
0x106: {  	v13 =	vsel vm2, $0x0, v13;
	v24 =	vnsel vm6, $0x0, v21;
	v16 =	vmul.f32 v17, v16  }
0x107: {  	v15 =	vsel vm4, v15, v28;
	v13 =	vadd.f32 v13, v14;
	v17 =	vmin.u32 v24, $0x31;
	v20 =	vpop (erf)  }
0x108: {  	v15 =	vsel vm3, $0x0, v15;
	v14 =	vmul.f32 v16, v16;
	v20 =	vmul.f32 v20, v30  }
0x109: {  	v11 =	vmul.f32 $5.000000000e-01, v11;
	s24 =	sadd.s32 $0x10, s24;
	v27 =	vadd.f32 v15, v13;
	v24 =	vor.u32 $0x40, v17  }
0x10a: {  	v13 =	vor.u32 s24, v1;
	v15 =	vmul.f32 $1.111111120e-01, v14;
	v28 =	vmul.f32 v20, v20  }
0x10b: {  	v11 =	vadd.f32 v11, v12;
	v12 =	vsel vm3, $0x0, v6;
	vm4 =	vlt.u32 v13, $0x1388  }
0x10c: {  	v8 =	vadd.f32 v12, v8;
	v30 =	vld.idx.msk [tilespmem:v17+s1+$0x0], $0xffff;
	v15 =	vadd.f32 $1.428571490e-01, v15;
	v31 =	vmul.f32 $1.111111120e-01, v28  }
0x10d: {  	v10 =	vsub.f32 v11, v10;
	v19 =	vadd.f32 v22, v19;
	v12 =	vadd.s32 v0, v13  }
0x10e: {  	v11 =	vmul.u32 $0x51, v12;
	v12 =	vmul.f32 v15, v14;
	v13 =	vadd.f32 $1.428571490e-01, v31;
	v15 =	vld [tilespmem:s29+$0xC80]  }
0x10f: {  	v9 =	vmul.f32 v10, v9;
	v22 =	vor.u32 $0xC0, v17;
	(erf) = vrcp.f32 v29  }
0x110: {  	vm2 =	vgt.s32 v21, $0xFFFFFFFF;
	v10 =	vadd.f32 $2.000000030e-01, v12;
	v12 =	vmul.f32 v13, v28  }
0x111: {  	v21 =	vor.u32 $0x80, v17;
	vm2 =	vmand vm4, vm2;
	(erf) = vrcp.f32 v25  }
0x112: {  	v13 =	vnsel vm2, $0x0, v30;
	v10 =	vmul.f32 v10, v14;
	v12 =	vadd.f32 $2.000000030e-01, v12  }
0x113: {  	vm2 =	vmmov vm3;
	v11 =	vadd.s32 v11, v13;
	v9 =	vsub.f32 v15, v9  }
0x114: {  	v11 =	vnsel vm4, $0x0, v11;
	v10 =	vadd.f32 $3.333333430e-01, v10;
	v12 =	vmul.f32 v12, v28  }
0x115: {  	[tilespmem:s5+$0x2B00] =	vst v11;
	v25 =	vld [tilespmem:s29+$0xF00];
	v15 =	vand.u32 $0x7FFFFFFF, v9;
	v29 =	vmul.f32 $5.000000000e-01, v9  }
0x116: {  	v21 =	vld.idx.msk [tilespmem:v21+s31+$0x0], $0xffff;
	v10 =	vmul.f32 v10, v14;
	v12 =	vadd.f32 $3.333333430e-01, v12;
	v14 =	vadd.f32 $-5.000000000e-01, v15  }
0x117: {  	v18 =	vcvt.s32.f32 v18;
	vm3 =	vlt.f32 v15, $1.000000000e+00;
	v11 =	vld.idx.msk [tilespmem:v22+s31+$0x0], $0xffff;
	v29 =	vmul.f32 v29, v9  }
0x118: {  	v16 =	vadd.f32 v16, v16;
	v22 =	vld.idx.msk [tilespmem:v17+s31+$0x0], $0xffff;
	v15 =	vpop (erf);
	v17 =	vadd.f32 $1.000000000e+00, v10;
	v28 =	vmul.f32 v12, v28  }
0x119: {  	v18 =	vmul.f32 $6.931471820e-01, v18;
	v10 =	vmul.f32 $5.000000000e-01, v19;
	v12 =	vld.idx.msk [tilespmem:v24+s31+$0x0], $0xffff;
	v14 =	vsel vm3, v29, v14  }
0x11a: {  	v9 =	vpop (erf);
	v16 =	vmul.f32 v17, v16;
	v17 =	vadd.f32 v20, v20;
	v19 =	vadd.f32 $1.000000000e+00, v28  }
0x11b: {  	v23 =	vmul.f32 $6.931471820e-01, v23;
	v20 =	vmul.f32 $5.000000000e-01, v26;
	v14 =	vsel vm2, $0x0, v14  }
0x11c: {  	v24 =	vmul.f32 v15, v21;
	v16 =	vadd.f32 v16, v18;
	v19 =	vmul.f32 v19, v17  }
0x11d: {  	v14 =	vadd.f32 v14, v27;
	v18 =	vmul.f32 $5.000000000e-01, v21;
	v26 =	vmul.f32 v9, v11  }
0x11e: {  	v21 =	vshrl.u32 v24, $0x17;
	v24 =	vand.u32 $0x7FFFFF, v24;
	v17 =	vsub.f32 v25, v16  }
0x11f: {  	v16 =	vadd.f32 v18, v22;
	v25 =	vor.u32 $0x3F800000, v24;
	v22 =	vand.u32 $0x7FFFFF, v26  }
.Ltmp2:
0x120: {  	v18 =	vand.u32 $0xFF, v21;
	v19 =	vadd.f32 v19, v23;
	v21 =	vmul.f32 $5.000000000e-01, v25;
	(pc) =	sbr.rel @p0 .LBB2_6-.Ltmp2, $4  }
0x121: {  	vm3 =	vgt.f32 v25, $1.414213540e+00;
	v23 =	vor.u32 $0x3F800000, v22;
	v22 =	vmul.f32 $5.000000000e-01, v17  }
0x122: {  	v24 =	vsub.f32 v16, v20;
	v20 =	vmul.f32 $5.000000000e-01, v23;
	v16 =	vsel vm3, v21, v25;
	v21 =	vld [tilespmem:s29+$0x1180];
	s29 =	smov.u32 s5  }
0x123: {  	v26 =	vshrl.u32 v26, $0x17;
	vm4 =	vgt.f32 v23, $1.414213540e+00;
	v25 =	vadd.f32 $1.000000000e+00, v16  }
0x124: {  	v26 =	vand.u32 $0xFF, v26;
	v27 =	vsel vm4, v20, v23;
	v20 =	vand.u32 $0x7FFFFFFF, v17;
	v23 =	vld [tilespmem:s29+$0xA00]  }
0x125: {  	v28 =	vadd.f32 $1.000000000e+00, v27;
	(erf) = vrcp.f32 v25;
	_ =	sdelay $0x1  }
0x126: {  	(erf) = vrcp.f32 v28;
	_ =	sdelay $0x5  }
0x127: {  	v16 =	vadd.f32 $-1.000000000e+00, v16  }
0x128: {  	v25 =	vpop (erf)  }
0x129: {  	v59 =	vadd.f32 $-1.000000000e+00, v27;
	v61 =	vsel vm3, $0x1, v5;
	v16 =	vmul.f32 v25, v16  }
0x12a: {  	v62 =	vsel vm4, $0x1, v5;
	v15 =	vmul.f32 v24, v15;
	v17 =	vmul.f32 v22, v17;
	v60 =	vpop (erf)  }
0x12b: {  	vm3 =	veq.s32 v13, $0x0;
	v29 =	vmul.f32 v16, v16;
	v25 =	vmul.f32 v60, v59  }
0x12c: {  	v34 =	vadd.f32 $-5.000000000e-01, v20;
	v38 =	vld [tilespmem:s29+$0xC80];
	vm11 =	vlt.f32 v20, $1.000000000e+00;
	v11 =	vmul.f32 $5.000000000e-01, v11  }
0x12d: {  	v41 =	vld [tilespmem:s29+$0xF00];
	s4 =	simm.s32 $0x2B00;
	s5 =	simm.s32 $0x2D80;
	v18 =	vadd.s32 v61, v18;
	v31 =	vmul.f32 $1.111111120e-01, v29;
	v32 =	vmul.f32 v25, v25  }
0x12e: {  	v43 =	vld [tilespmem:s29+$0x1180];
	v63 =	vadd.s32 v62, v26;
	[tilespmem:s5], [sflag:$0x1] =	stream.indirect.gather [hbm4b:s3+s20], $0x1, s4, s20, $0xb8;
	v33 =	vsub.f32 v21, v19;
	v18 =	vadd.s32 $0xFFFFFF81, v18  }
0x12f: {  	v22 =	vadd.s32 $0xFFFFFF81, v63;
	v35 =	vadd.f32 $1.428571490e-01, v31;
	v36 =	vmul.f32 $1.111111120e-01, v32  }
0x130: {  	s24 =	simm.s32 $0x2B80;
	s29 =	simm.s32 $0x2E00;
	v17 =	vsel vm11, v17, v34;
	v11 =	vadd.f32 v11, v12;
	v47 =	vcvt.s32.f32 v22  }
0x131: {  	[tilespmem:s29], [sflag:$0x1] =	stream.indirect.gather [hbm4b:s3+s20], $0x1, s24, s20, $0xb8;
	v49 =	vsel vm2, $0x0, v17;
	v39 =	vmul.f32 v35, v29;
	v40 =	vadd.f32 $1.428571490e-01, v36;
	[tilespmem:$0x3080] =	vst v63  }
0x132: {  	s24 =	simm.s32 $0x2C00;
	s29 =	simm.s32 $0x2E80;
	v15 =	vsub.f32 v23, v15;
	v37 =	vmul.f32 $5.000000000e-01, v33;
	v42 =	vand.u32 $0x7FFFFFFF, v33  }
0x133: {  	v10 =	vsub.f32 v11, v10;
	[tilespmem:s29], [sflag:$0x1] =	stream.indirect.gather [hbm4b:s3+s20], $0x1, s24, s20, $0xb8;
	v20 =	vadd.f32 $2.000000030e-01, v39;
	v21 =	vmul.f32 v40, v32;
	[tilespmem:$0x3080] =	vst v63  }
0x134: {  	v14 =	vadd.f32 v49, v14;
	vm12 =	vlt.f32 v42, $1.000000000e+00;
	s24 =	simm.s32 $0x2C80;
	s29 =	simm.s32 $0x2F00;
	v56 =	vmul.f32 $6.931471820e-01, v47  }
0x135: {  	v13 =	vmul.f32 v37, v33;
	[tilespmem:s29], [sflag:$0x1] =	stream.indirect.gather [hbm4b:s3+s20], $0x1, s24, s20, $0xb8;
	v45 =	vmul.f32 v20, v29;
	v46 =	vadd.f32 $2.000000030e-01, v21;
	[tilespmem:$0x3080] =	vst v63  }
0x136: {  	s5 =	simm.s32 $0x2D00;
	v19 =	vadd.f32 $-5.000000000e-01, v42;
	v44 =	vmul.f32 $5.000000000e-01, v15;
	v9 =	vmul.f32 v10, v9;
	s24 =	simm.s32 $0x2F80  }
0x137: {  	v10 =	vcvt.s32.f32 v18;
	[tilespmem:s24], [sflag:$0x1] =	stream.indirect.gather [hbm4b:s3+s20], $0x1, s5, s20, $0xb8;
	v12 =	vadd.f32 $3.333333430e-01, v45;
	v20 =	vmul.f32 v46, v32;
	[tilespmem:$0x3080] =	vst v63  }
0x138: {  	v48 =	vmul.f32 v44, v15;
	v15 =	vand.u32 $0x7FFFFFFF, v15;
	v13 =	vsel vm12, v13, v19;
	_ =	swait.ge [sflag:s30], $0x80  }
0x139: {  	v9 =	vsub.f32 v38, v9;
	[sflag:s30] =	ssyncset.done $0x0;
	v12 =	vmul.f32 v12, v29;
	v50 =	vadd.f32 $3.333333430e-01, v20  }
0x13a: {  	v10 =	vmul.f32 $6.931471820e-01, v10;
	vm5 =	vlt.f32 v15, $1.000000000e+00;
	v11 =	vadd.f32 $-5.000000000e-01, v15;
	[sflag:s30] =	ssyncadd.s32 $0xFFFFFF80  }
0x13b: {  	v51 =	vadd.f32 v16, v16;
	_ =	swait.ge [sflag:s30], $0x80;
	v12 =	vadd.f32 $1.000000000e+00, v12;
	v52 =	vmul.f32 v50, v32  }
0x13c: {  	v13 =	vsel vm2, $0x0, v13;
	v54 =	vand.u32 $0x7FFFFFFF, v9;
	v55 =	vmul.f32 $5.000000000e-01, v9;
	[sflag:s30] =	ssyncset.done $0x0  }
0x13d: {  	v53 =	vadd.f32 v25, v25;
	[sflag:s30] =	ssyncadd.s32 $0xFFFFFF80;
	v12 =	vmul.f32 v12, v51;
	v16 =	vadd.f32 $1.000000000e+00, v52  }
0x13e: {  	vm2 =	vmmov vm3;
	v11 =	vsel vm5, v48, v11;
	v58 =	vadd.f32 $-5.000000000e-01, v54;
	_ =	swait.ge [sflag:s30], $0x80  }
0x13f: {  	v9 =	vmul.f32 v55, v9;
	[sflag:s30] =	ssyncset.done $0x0;
	v10 =	vadd.f32 v12, v10;
	v57 =	vmul.f32 v16, v53  }
0x140: {  	v13 =	vadd.f32 v13, v14;
	vm13 =	vlt.f32 v54, $1.000000000e+00;
	v11 =	vsel vm3, $0x0, v11;
	[sflag:s30] =	ssyncadd.s32 $0xFFFFFF80  }
0x141: {  	v9 =	vsel vm13, v9, v58;
	_ =	swait.ge [sflag:s30], $0x80;
	v10 =	vsub.f32 v41, v10;
	v12 =	vadd.f32 v57, v56  }
0x142: {  	v11 =	vadd.f32 v11, v13;
	v9 =	vsel vm2, $0x0, v9;
	[sflag:s30] =	ssyncset.done $0x0  }
0x143: {  	[sflag:s30] =	ssyncadd.s32 $0xFFFFFF80;
	v59 =	vmul.f32 $5.000000000e-01, v10;
	v12 =	vsub.f32 v43, v12;
	v60 =	vand.u32 $0x7FFFFFFF, v10  }
0x144: {  	v9 =	vadd.f32 v9, v11;
	_ =	swait.ge [sflag:s30], $0x80;
	v61 =	vadd.f32 $-5.000000000e-01, v60;
	vm14 =	vlt.f32 v60, $1.000000000e+00  }
0x145: {  	[sflag:s30] =	ssyncset.done $0x0;
	v10 =	vmul.f32 v59, v10;
	v62 =	vmul.f32 $5.000000000e-01, v12;
	v11 =	vand.u32 $0x7FFFFFFF, v12  }
0x146: {  	s29 =	simm.s32 $0x0;
	[sflag:s30] =	ssyncadd.s32 $0xFFFFFF80;
	v63 =	vadd.f32 $-5.000000000e-01, v11;
	vm15 =	vlt.f32 v11, $1.000000000e+00;
	v11 =	vsel vm3, $0x0, v6  }
0x147: {  	v12 =	vmul.f32 v62, v12;
	v10 =	vsel vm14, v10, v61;
	v8 =	vadd.f32 v11, v8;
	v11 =	vld [tilespmem:s29+$0x2D80]  }
0x148: {  	v10 =	vsel vm2, $0x0, v10  }
0x149: {  	v9 =	vadd.f32 v10, v9;
	v10 =	vsel vm15, v12, v63  }
0x14a: {  	v10 =	vsel vm2, $0x0, v10  }
0x14b: {  	s4 =	simm.s32 $0x40;
	s5 =	smov.u32 s6;
	vm2 =	vlt.u32 v3, v7;
	v9 =	vadd.f32 v10, v9;
	v10 =	vimm.f32 $0.0e+00  }
.LBB2_8:
0x14c: {  	s24 =	sshra.s32 s4, $0x2;
	p0 =	sne.s32 s4, $0x9C0;
	s4 =	sadd.s32 $0x40, s4;
	v12 =	vnsel vm2, $0x0, v11  }
.Ltmp3:
0x14d: {  	v11 =	vld [tilespmem:s24+$0x2D80];
	v10 =	vadd.f32 v12, v10;
	(pc) =	sbr.rel @p0 .LBB2_8-.Ltmp3, $4  }
0x14e: {  	_ = 	snop  }
0x14f: {  	s5 =	sadd.s32 $0x10, s5  }
0x150: {  	v12 =	vmov s5  }
0x151: {  	vm2 =	vlt.u32 v12, v7  }
0x152: {  	v11 =	vnsel vm2, $0x0, v11  }
0x153: {  	[tilespmem:$0x3000] =	vst v9;
	s28 =	sadd.s32 $0x1, s28;
	v10 =	vadd.f32 v11, v10  }
0x154: {  	[tilespmem:$0x3020] =	vst v8;
	p0 =	sne.s32 s28, s19  }
.Ltmp4:
0x155: {  	s4 =	simm.s32 $0x3000;
	[tilespmem:$0x3010] =	vst v10;
	(pc) =	sbr.rel @p0 .LBB2_1-.Ltmp4, $4  }
0x156: {  	[hbm4b:s18+s2] =	stream.linear.scatter [tilespmem:s4], [sflag:$0x2], $0x80, $0x38;
	[tilespmem:$0x3080] =	vst v63  }
0x157: {  	_ =	swait.ge [sflag:s22], $0x80  }
0x158: {  	[sflag:s22] =	ssyncset.done $0x0  }
0x159: {  	[sflag:s22] =	ssyncadd.s32 $0xFFFFFF80  }
0x15a: {  	_ =	sfence.sel $0x180000  }
0x15b: {  	[bflag:$0x0] =	sbarrier.arrive $0xFFFF  }
0x15c: {  	_ =	strace $0x9000004A  }
0x15d: {  	s0 =	stileid.u32;
	[bflag:$0x2] =	sbarrier.arrive $0xFFFF  }
0x15e: {  	p0 =	sne.s32 s0, $0x0;
	s0 =	rddreg [dreg:$0x1]  }
0x15f: {  	s0 =	sadd.s32 @!p0 $0x100000, s0  }
0x160: {  	[sflag:s0] =	ssyncadd.tile.s32 @!p0 $0x1;
	_ =	shalt  }
.Lfunc_end2:
_tile_overlayer_lowered:
.L_overlay_start_2:
0x161: {  	(tag) =	ssettag $0x2  }
0x162: {  	s0 =	rddreg [dreg:$0x0];
	s2 =	stileid.u32  }
0x163: {  	s1 =	rddreg [dreg:$0x1];
	p0 =	sne.s32 s2, $0x0  }
0x164: {  	s3 =	rddreg [dreg:$0x2];
	[bflag:$0x3] =	sbarrier.arrive $0xFFFF;
	s2 =	simm.s32 @!p0 $0x1C02  }
0x165: {  	[timem:s3], [sflag:s2] =	dma.local @!p0 [hbm:s0], s1  }
0x166: {  	s0 =	simm.s32 @!p0 $0x2  }
0x167: {  	_ =	swait.ge @!p0 [sflag:s0], s1  }
0x168: {  	s1 =	ssub.s32 @!p0 $0x0, s1;
	[sflag:s0] =	ssyncset.done @!p0 $0x0  }
0x169: {  	[sflag:s0] =	ssyncadd.s32 @!p0 s1  }
0x16a: {  	[bflag:$0x3] =	sbarrier.arrive $0xFFFF  }
0x16b: {  	_ =	shalt  }

</sc_bundles>
